<compile_context>
chip_gen: v7x
topology: tpu7x:2x2x1
jax: 0.10.2.dev20260603
libtpu: 0.0.44.dev20260713+nightly
codegen_flags: <defaults>
</compile_context>

<pallas_src>
import functools

import jax
import jax.numpy as jnp
from jax import lax
from jax.experimental import pallas as pl
from jax.experimental.pallas import tpu as pltpu
from jax.experimental.pallas import tpu_sc as plsc

_BATCH = 4096
_HIST = 50
_EMB = 256
_ROWS = _BATCH * _HIST
_NW = 32
_ROWS_PER_W = _ROWS // _NW
_CHUNK = 80
_NCHUNK = _ROWS_PER_W // _CHUNK
_NBUF = 5


def _gather_body(idx_hbm, table_hbm, out_hbm, idx_v, bufs, gsems, wsems):
    wid = lax.axis_index("s") * 2 + lax.axis_index("c")
    row_base = wid * _ROWS_PER_W

    pltpu.sync_copy(idx_hbm.at[wid], idx_v)

    def start_gather(c, s):
        pltpu.async_copy(table_hbm.at[idx_v.at[c]], bufs[s], gsems[s])

    def wait_gather(c, s):
        pltpu.make_async_copy(table_hbm.at[idx_v.at[c]], bufs[s], gsems[s]).wait()

    def out_slice(c):
        return out_hbm.at[pl.ds(row_base + c * _CHUNK, _CHUNK)]

    def start_write(c, s):
        pltpu.async_copy(bufs[s], out_slice(c), wsems[s])

    def wait_write(c, s):
        pltpu.make_async_copy(bufs[s], out_slice(c), wsems[s]).wait()

    for s in range(_NBUF):
        start_gather(s, s)

    def body(g, carry):
        c_base = g * _NBUF
        for s in range(_NBUF):
            c = c_base + s
            wait_gather(c, s)
            start_write(c, s)
        for s in range(_NBUF):
            c = c_base + s
            wait_write(c, s)

            @pl.when(c + _NBUF < _NCHUNK)
            def _():
                start_gather(c + _NBUF, s)

        return carry

    lax.fori_loop(0, _NCHUNK // _NBUF, body, 0)


@jax.jit
def _lookup(indices_3d, ent_embeds):
    mesh = plsc.VectorSubcoreMesh(core_axis_name="c", subcore_axis_name="s")
    run = functools.partial(
        pl.kernel,
        out_type=jax.ShapeDtypeStruct((_ROWS, _EMB), jnp.float32),
        mesh=mesh,
        scratch_types=[
            pltpu.VMEM((_NCHUNK, _CHUNK), jnp.int32),
            tuple(pltpu.VMEM((_CHUNK, _EMB), jnp.float32) for _ in range(_NBUF)),
            tuple(pltpu.SemaphoreType.DMA for _ in range(_NBUF)),
            tuple(pltpu.SemaphoreType.DMA for _ in range(_NBUF)),
        ],
    )(_gather_body)
    return run(indices_3d, ent_embeds)


def _transpose_body(idx_ref, out_ref):
    out_ref[...] = idx_ref[...].T


def _transpose_idx(indices):
    return pl.pallas_call(
        _transpose_body,
        out_shape=jax.ShapeDtypeStruct((_HIST, _BATCH), jnp.int32),
    )(indices)


def kernel(indices, ent_embeds):
    idx3 = _transpose_idx(indices.astype(jnp.int32)).reshape(_NW, _NCHUNK, _CHUNK)
    out = _lookup(idx3, ent_embeds)
    return out.reshape(_HIST, _BATCH, _EMB).transpose(1, 0, 2)

# --- scband reference (transcript-rebuilt; emitter-appended) ---
"""Pipeline reference for scband-da-luke-2645699854861 (READ-ONLY COPY).

The authoritative reference and input builder live on the scoring server;
editing this copy changes nothing except your own understanding.
"""

import jax, jax.numpy as jnp
import numpy as np

ENT_VOCAB = 100000
ENT_EMB = 256
BATCH = 4096
HIST = 50


def setup_inputs(seed: int = 0) -> dict:
    key = jax.random.key(seed)
    k_idx, k_tab = jax.random.split(key)
    indices = jax.random.randint(k_idx, (BATCH, HIST), 0, ENT_VOCAB)
    ent_embeds = jax.random.normal(k_tab, (ENT_VOCAB, ENT_EMB), dtype=jnp.float32) * 0.02
    # nn.Embedding(padding_idx=0): row 0 initialized to zeros
    ent_embeds = ent_embeds.at[0].set(0.0)
    return {"indices": indices, "ent_embeds": ent_embeds}


def reference(indices, ent_embeds):
    # DaLUKE entity embedding lookup: self.ent_embeds(indices)
    return jnp.take(ent_embeds, indices, axis=0)

if __name__ == "__main__":
    import jax
    _d = setup_inputs()
    print(jax.jit(kernel)(*tuple(_d.values())))

</pallas_src>

<mosaic_0001>
#map = affine_map<(d0, d1) -> (0, 0, 0)>
#map1 = affine_map<(d0, d1) -> (0, 0)>
module attributes {stable_mosaic.version = 14 : i64} {
  func.func @_gather_body(%arg0: i32, %arg1: i32, %arg2: memref<32x80x80xi32, #tpu.memory_space<hbm>>, %arg3: memref<100000x256xf32, #tpu.memory_space<hbm>>, %arg4: memref<204800x256xf32, #tpu.memory_space<hbm>>, %arg5: memref<80x80xi32, #tpu.memory_space<vmem>>, %arg6: memref<80x256xf32, #tpu.memory_space<vmem>>, %arg7: memref<80x256xf32, #tpu.memory_space<vmem>>, %arg8: memref<80x256xf32, #tpu.memory_space<vmem>>, %arg9: memref<80x256xf32, #tpu.memory_space<vmem>>, %arg10: memref<80x256xf32, #tpu.memory_space<vmem>>, %arg11: memref<!tpu.dma_semaphore, #tpu.memory_space<semaphore_mem>>, %arg12: memref<!tpu.dma_semaphore, #tpu.memory_space<semaphore_mem>>, %arg13: memref<!tpu.dma_semaphore, #tpu.memory_space<semaphore_mem>>, %arg14: memref<!tpu.dma_semaphore, #tpu.memory_space<semaphore_mem>>, %arg15: memref<!tpu.dma_semaphore, #tpu.memory_space<semaphore_mem>>, %arg16: memref<!tpu.dma_semaphore, #tpu.memory_space<semaphore_mem>>, %arg17: memref<!tpu.dma_semaphore, #tpu.memory_space<semaphore_mem>>, %arg18: memref<!tpu.dma_semaphore, #tpu.memory_space<semaphore_mem>>, %arg19: memref<!tpu.dma_semaphore, #tpu.memory_space<semaphore_mem>>, %arg20: memref<!tpu.dma_semaphore, #tpu.memory_space<semaphore_mem>>) attributes {dimension_semantics = [#tpu.dimension_semantics<core_parallel>, #tpu.dimension_semantics<subcore_parallel>], iteration_bounds = array<i64: 2, 16>, scalar_prefetch = 0 : i64, scratch_operands = 16 : i64, tpu.core_type = #tpu.core_type<sc_vector_subcore>, window_params = [{transform_indices = #map}, {transform_indices = #map1}, {transform_indices = #map1}]} {
    %mul3A = arith.constant 2 : i32
    %mul3A_0 = arith.muli %arg1, %mul3A : i32
    %add3A = arith.addi %mul3A_0, %arg0 : i32
    %mul3A_1 = arith.constant 6400 : i32
    %mul3A_2 = arith.muli %add3A, %mul3A_1 : i32
    "tpu.region"() ({
      %run_scoped3A = tpu.sem_alloc : memref<!tpu.dma_semaphore, #tpu.memory_space<semaphore_mem>>
      %dma_start3A_42 = arith.constant 0 : i32
      %dma_start3A_43 = arith.constant 0 : i32
      %dma_start3A_44 = tpu.memref_slice %arg2[%add3A, %dma_start3A_42, %dma_start3A_43] : memref<32x80x80xi32, #tpu.memory_space<hbm>> -> memref<1x80x80xi32, #tpu.memory_space<hbm>>
      %dma_start3A_45 = tpu.memref_squeeze %dma_start3A_44 : memref<1x80x80xi32, #tpu.memory_space<hbm>> -> memref<80x80xi32, #tpu.memory_space<hbm>>
      %dma_start3A_46 = arith.constant 0 : i32
      %dma_start3A_47 = arith.constant 0 : i32
      %dma_start3A_48 = tpu.memref_slice %arg2[%add3A, %dma_start3A_46, %dma_start3A_47] : memref<32x80x80xi32, #tpu.memory_space<hbm>> -> memref<1x80x80xi32, #tpu.memory_space<hbm>>
      %dma_start3A_49 = tpu.memref_squeeze %dma_start3A_48 : memref<1x80x80xi32, #tpu.memory_space<hbm>> -> memref<80x80xi32, #tpu.memory_space<hbm>>
      tpu.enqueue_dma source(%dma_start3A_49 : memref<80x80xi32, #tpu.memory_space<hbm>>) target(%arg5 : memref<80x80xi32, #tpu.memory_space<vmem>>) target_semaphore(%run_scoped3A : memref<!tpu.dma_semaphore, #tpu.memory_space<semaphore_mem>>)
      %dma_wait3A = arith.constant 0 : i32
      %dma_wait3A_50 = arith.constant 0 : i32
      %dma_wait3A_51 = tpu.memref_slice %arg2[%add3A, %dma_wait3A, %dma_wait3A_50] : memref<32x80x80xi32, #tpu.memory_space<hbm>> -> memref<1x80x80xi32, #tpu.memory_space<hbm>>
      %dma_wait3A_52 = tpu.memref_squeeze %dma_wait3A_51 : memref<1x80x80xi32, #tpu.memory_space<hbm>> -> memref<80x80xi32, #tpu.memory_space<hbm>>
      %dma_wait3A_53 = arith.constant 0 : i32
      %dma_wait3A_54 = arith.constant 0 : i32
      %dma_wait3A_55 = tpu.memref_slice %arg2[%add3A, %dma_wait3A_53, %dma_wait3A_54] : memref<32x80x80xi32, #tpu.memory_space<hbm>> -> memref<1x80x80xi32, #tpu.memory_space<hbm>>
      %dma_wait3A_56 = tpu.memref_squeeze %dma_wait3A_55 : memref<1x80x80xi32, #tpu.memory_space<hbm>> -> memref<80x80xi32, #tpu.memory_space<hbm>>
      tpu.wait_dma2 semaphore(%run_scoped3A : memref<!tpu.dma_semaphore, #tpu.memory_space<semaphore_mem>>) src(%dma_wait3A_56 : memref<80x80xi32, #tpu.memory_space<hbm>>) dst(%arg5 : memref<80x80xi32, #tpu.memory_space<vmem>>)
      tpu.yield
    }) : () -> ()
    %dma_start3A = arith.constant 0 : i32
    %dma_start3A_3 = arith.constant 0 : i32
    %dma_start3A_4 = tpu.memref_slice %arg5[%dma_start3A, %dma_start3A_3] : memref<80x80xi32, #tpu.memory_space<vmem>> -> memref<1x80xi32, #tpu.memory_space<vmem>>
    %dma_start3A_5 = tpu.memref_squeeze %dma_start3A_4 : memref<1x80xi32, #tpu.memory_space<vmem>> -> memref<80xi32, #tpu.memory_space<vmem>>
    %dma_start3A_6 = arith.constant 0 : i32
    %dma_start3A_7 = arith.constant 0 : i32
    %dma_start3A_8 = tpu.memref_slice %arg3[%dma_start3A_6, %dma_start3A_7] : memref<100000x256xf32, #tpu.memory_space<hbm>> -> memref<100000x256xf32, #tpu.memory_space<hbm>>
    tpu.enqueue_indirect_dma source(%dma_start3A_8 : memref<100000x256xf32, #tpu.memory_space<hbm>>) target(%arg6 : memref<80x256xf32, #tpu.memory_space<vmem>>) offsets(%dma_start3A_5 : memref<80xi32, #tpu.memory_space<vmem>>) semaphore(%arg11 : memref<!tpu.dma_semaphore, #tpu.memory_space<semaphore_mem>>)
    %dma_start3A_9 = arith.constant 1 : i32
    %dma_start3A_10 = arith.constant 0 : i32
    %dma_start3A_11 = tpu.memref_slice %arg5[%dma_start3A_9, %dma_start3A_10] : memref<80x80xi32, #tpu.memory_space<vmem>> -> memref<1x80xi32, #tpu.memory_space<vmem>>
    %dma_start3A_12 = tpu.memref_squeeze %dma_start3A_11 : memref<1x80xi32, #tpu.memory_space<vmem>> -> memref<80xi32, #tpu.memory_space<vmem>>
    %dma_start3A_13 = arith.constant 0 : i32
    %dma_start3A_14 = arith.constant 0 : i32
    %dma_start3A_15 = tpu.memref_slice %arg3[%dma_start3A_13, %dma_start3A_14] : memref<100000x256xf32, #tpu.memory_space<hbm>> -> memref<100000x256xf32, #tpu.memory_space<hbm>>
    tpu.enqueue_indirect_dma source(%dma_start3A_15 : memref<100000x256xf32, #tpu.memory_space<hbm>>) target(%arg7 : memref<80x256xf32, #tpu.memory_space<vmem>>) offsets(%dma_start3A_12 : memref<80xi32, #tpu.memory_space<vmem>>) semaphore(%arg12 : memref<!tpu.dma_semaphore, #tpu.memory_space<semaphore_mem>>)
    %dma_start3A_16 = arith.constant 2 : i32
    %dma_start3A_17 = arith.constant 0 : i32
    %dma_start3A_18 = tpu.memref_slice %arg5[%dma_start3A_16, %dma_start3A_17] : memref<80x80xi32, #tpu.memory_space<vmem>> -> memref<1x80xi32, #tpu.memory_space<vmem>>
    %dma_start3A_19 = tpu.memref_squeeze %dma_start3A_18 : memref<1x80xi32, #tpu.memory_space<vmem>> -> memref<80xi32, #tpu.memory_space<vmem>>
    %dma_start3A_20 = arith.constant 0 : i32
    %dma_start3A_21 = arith.constant 0 : i32
    %dma_start3A_22 = tpu.memref_slice %arg3[%dma_start3A_20, %dma_start3A_21] : memref<100000x256xf32, #tpu.memory_space<hbm>> -> memref<100000x256xf32, #tpu.memory_space<hbm>>
    tpu.enqueue_indirect_dma source(%dma_start3A_22 : memref<100000x256xf32, #tpu.memory_space<hbm>>) target(%arg8 : memref<80x256xf32, #tpu.memory_space<vmem>>) offsets(%dma_start3A_19 : memref<80xi32, #tpu.memory_space<vmem>>) semaphore(%arg13 : memref<!tpu.dma_semaphore, #tpu.memory_space<semaphore_mem>>)
    %dma_start3A_23 = arith.constant 3 : i32
    %dma_start3A_24 = arith.constant 0 : i32
    %dma_start3A_25 = tpu.memref_slice %arg5[%dma_start3A_23, %dma_start3A_24] : memref<80x80xi32, #tpu.memory_space<vmem>> -> memref<1x80xi32, #tpu.memory_space<vmem>>
    %dma_start3A_26 = tpu.memref_squeeze %dma_start3A_25 : memref<1x80xi32, #tpu.memory_space<vmem>> -> memref<80xi32, #tpu.memory_space<vmem>>
    %dma_start3A_27 = arith.constant 0 : i32
    %dma_start3A_28 = arith.constant 0 : i32
    %dma_start3A_29 = tpu.memref_slice %arg3[%dma_start3A_27, %dma_start3A_28] : memref<100000x256xf32, #tpu.memory_space<hbm>> -> memref<100000x256xf32, #tpu.memory_space<hbm>>
    tpu.enqueue_indirect_dma source(%dma_start3A_29 : memref<100000x256xf32, #tpu.memory_space<hbm>>) target(%arg9 : memref<80x256xf32, #tpu.memory_space<vmem>>) offsets(%dma_start3A_26 : memref<80xi32, #tpu.memory_space<vmem>>) semaphore(%arg14 : memref<!tpu.dma_semaphore, #tpu.memory_space<semaphore_mem>>)
    %dma_start3A_30 = arith.constant 4 : i32
    %dma_start3A_31 = arith.constant 0 : i32
    %dma_start3A_32 = tpu.memref_slice %arg5[%dma_start3A_30, %dma_start3A_31] : memref<80x80xi32, #tpu.memory_space<vmem>> -> memref<1x80xi32, #tpu.memory_space<vmem>>
    %dma_start3A_33 = tpu.memref_squeeze %dma_start3A_32 : memref<1x80xi32, #tpu.memory_space<vmem>> -> memref<80xi32, #tpu.memory_space<vmem>>
    %dma_start3A_34 = arith.constant 0 : i32
    %dma_start3A_35 = arith.constant 0 : i32
    %dma_start3A_36 = tpu.memref_slice %arg3[%dma_start3A_34, %dma_start3A_35] : memref<100000x256xf32, #tpu.memory_space<hbm>> -> memref<100000x256xf32, #tpu.memory_space<hbm>>
    tpu.enqueue_indirect_dma source(%dma_start3A_36 : memref<100000x256xf32, #tpu.memory_space<hbm>>) target(%arg10 : memref<80x256xf32, #tpu.memory_space<vmem>>) offsets(%dma_start3A_33 : memref<80xi32, #tpu.memory_space<vmem>>) semaphore(%arg15 : memref<!tpu.dma_semaphore, #tpu.memory_space<semaphore_mem>>)
    %scan3A = arith.constant 0 : i32
    %scan3A_37 = arith.constant 0 : i32
    %scan3A_38 = arith.constant 16 : i32
    %scan3A_39 = arith.addi %scan3A_37, %scan3A_38 : i32
    %scan3A_40 = arith.constant 1 : i32
    scf.for %scan3A_42 = %scan3A_37 to %scan3A_39 step %scan3A_40  : i32 {
      %mul3A_43 = arith.constant 5 : i32
      %mul3A_44 = arith.muli %scan3A_42, %mul3A_43 : i32
      %add3A_45 = arith.constant 0 : i32
      %add3A_46 = arith.addi %mul3A_44, %add3A_45 : i32
      %dma_wait3A = arith.constant 0 : i32
      %dma_wait3A_47 = tpu.memref_slice %arg5[%add3A_46, %dma_wait3A] : memref<80x80xi32, #tpu.memory_space<vmem>> -> memref<1x80xi32, #tpu.memory_space<vmem>>
      %dma_wait3A_48 = tpu.memref_squeeze %dma_wait3A_47 : memref<1x80xi32, #tpu.memory_space<vmem>> -> memref<80xi32, #tpu.memory_space<vmem>>
      %dma_wait3A_49 = arith.constant 0 : i32
      %dma_wait3A_50 = arith.constant 0 : i32
      %dma_wait3A_51 = tpu.memref_slice %arg3[%dma_wait3A_49, %dma_wait3A_50] : memref<100000x256xf32, #tpu.memory_space<hbm>> -> memref<100000x256xf32, #tpu.memory_space<hbm>>
      tpu.wait_indirect_dma semaphore(%arg11 : memref<!tpu.dma_semaphore, #tpu.memory_space<semaphore_mem>>) src(%dma_wait3A_51 : memref<100000x256xf32, #tpu.memory_space<hbm>>) dst(%arg6 : memref<80x256xf32, #tpu.memory_space<vmem>>)
      %mul3A_52 = arith.constant 80 : i32
      %mul3A_53 = arith.muli %add3A_46, %mul3A_52 : i32
      %add3A_54 = arith.addi %mul3A_2, %mul3A_53 : i32
      %dma_start3A_55 = arith.constant 0 : i32
      %dma_start3A_56 = tpu.memref_slice %arg4[%add3A_54, %dma_start3A_55] : memref<204800x256xf32, #tpu.memory_space<hbm>> -> memref<80x256xf32, #tpu.memory_space<hbm>>
      %dma_start3A_57 = arith.constant 0 : i32
      %dma_start3A_58 = tpu.memref_slice %arg4[%add3A_54, %dma_start3A_57] : memref<204800x256xf32, #tpu.memory_space<hbm>> -> memref<80x256xf32, #tpu.memory_space<hbm>>
      tpu.enqueue_dma source(%arg6 : memref<80x256xf32, #tpu.memory_space<vmem>>) target(%dma_start3A_58 : memref<80x256xf32, #tpu.memory_space<hbm>>) target_semaphore(%arg16 : memref<!tpu.dma_semaphore, #tpu.memory_space<semaphore_mem>>)
      %add3A_59 = arith.constant 1 : i32
      %add3A_60 = arith.addi %mul3A_44, %add3A_59 : i32
      %dma_wait3A_61 = arith.constant 0 : i32
      %dma_wait3A_62 = tpu.memref_slice %arg5[%add3A_60, %dma_wait3A_61] : memref<80x80xi32, #tpu.memory_space<vmem>> -> memref<1x80xi32, #tpu.memory_space<vmem>>
      %dma_wait3A_63 = tpu.memref_squeeze %dma_wait3A_62 : memref<1x80xi32, #tpu.memory_space<vmem>> -> memref<80xi32, #tpu.memory_space<vmem>>
      %dma_wait3A_64 = arith.constant 0 : i32
      %dma_wait3A_65 = arith.constant 0 : i32
      %dma_wait3A_66 = tpu.memref_slice %arg3[%dma_wait3A_64, %dma_wait3A_65] : memref<100000x256xf32, #tpu.memory_space<hbm>> -> memref<100000x256xf32, #tpu.memory_space<hbm>>
      tpu.wait_indirect_dma semaphore(%arg12 : memref<!tpu.dma_semaphore, #tpu.memory_space<semaphore_mem>>) src(%dma_wait3A_66 : memref<100000x256xf32, #tpu.memory_space<hbm>>) dst(%arg7 : memref<80x256xf32, #tpu.memory_space<vmem>>)
      %mul3A_67 = arith.constant 80 : i32
      %mul3A_68 = arith.muli %add3A_60, %mul3A_67 : i32
      %add3A_69 = arith.addi %mul3A_2, %mul3A_68 : i32
      %dma_start3A_70 = arith.constant 0 : i32
      %dma_start3A_71 = tpu.memref_slice %arg4[%add3A_69, %dma_start3A_70] : memref<204800x256xf32, #tpu.memory_space<hbm>> -> memref<80x256xf32, #tpu.memory_space<hbm>>
      %dma_start3A_72 = arith.constant 0 : i32
      %dma_start3A_73 = tpu.memref_slice %arg4[%add3A_69, %dma_start3A_72] : memref<204800x256xf32, #tpu.memory_space<hbm>> -> memref<80x256xf32, #tpu.memory_space<hbm>>
      tpu.enqueue_dma source(%arg7 : memref<80x256xf32, #tpu.memory_space<vmem>>) target(%dma_start3A_73 : memref<80x256xf32, #tpu.memory_space<hbm>>) target_semaphore(%arg17 : memref<!tpu.dma_semaphore, #tpu.memory_space<semaphore_mem>>)
      %add3A_74 = arith.constant 2 : i32
      %add3A_75 = arith.addi %mul3A_44, %add3A_74 : i32
      %dma_wait3A_76 = arith.constant 0 : i32
      %dma_wait3A_77 = tpu.memref_slice %arg5[%add3A_75, %dma_wait3A_76] : memref<80x80xi32, #tpu.memory_space<vmem>> -> memref<1x80xi32, #tpu.memory_space<vmem>>
      %dma_wait3A_78 = tpu.memref_squeeze %dma_wait3A_77 : memref<1x80xi32, #tpu.memory_space<vmem>> -> memref<80xi32, #tpu.memory_space<vmem>>
      %dma_wait3A_79 = arith.constant 0 : i32
      %dma_wait3A_80 = arith.constant 0 : i32
      %dma_wait3A_81 = tpu.memref_slice %arg3[%dma_wait3A_79, %dma_wait3A_80] : memref<100000x256xf32, #tpu.memory_space<hbm>> -> memref<100000x256xf32, #tpu.memory_space<hbm>>
      tpu.wait_indirect_dma semaphore(%arg13 : memref<!tpu.dma_semaphore, #tpu.memory_space<semaphore_mem>>) src(%dma_wait3A_81 : memref<100000x256xf32, #tpu.memory_space<hbm>>) dst(%arg8 : memref<80x256xf32, #tpu.memory_space<vmem>>)
      %mul3A_82 = arith.constant 80 : i32
      %mul3A_83 = arith.muli %add3A_75, %mul3A_82 : i32
      %add3A_84 = arith.addi %mul3A_2, %mul3A_83 : i32
      %dma_start3A_85 = arith.constant 0 : i32
      %dma_start3A_86 = tpu.memref_slice %arg4[%add3A_84, %dma_start3A_85] : memref<204800x256xf32, #tpu.memory_space<hbm>> -> memref<80x256xf32, #tpu.memory_space<hbm>>
      %dma_start3A_87 = arith.constant 0 : i32
      %dma_start3A_88 = tpu.memref_slice %arg4[%add3A_84, %dma_start3A_87] : memref<204800x256xf32, #tpu.memory_space<hbm>> -> memref<80x256xf32, #tpu.memory_space<hbm>>
      tpu.enqueue_dma source(%arg8 : memref<80x256xf32, #tpu.memory_space<vmem>>) target(%dma_start3A_88 : memref<80x256xf32, #tpu.memory_space<hbm>>) target_semaphore(%arg18 : memref<!tpu.dma_semaphore, #tpu.memory_space<semaphore_mem>>)
      %add3A_89 = arith.constant 3 : i32
      %add3A_90 = arith.addi %mul3A_44, %add3A_89 : i32
      %dma_wait3A_91 = arith.constant 0 : i32
      %dma_wait3A_92 = tpu.memref_slice %arg5[%add3A_90, %dma_wait3A_91] : memref<80x80xi32, #tpu.memory_space<vmem>> -> memref<1x80xi32, #tpu.memory_space<vmem>>
      %dma_wait3A_93 = tpu.memref_squeeze %dma_wait3A_92 : memref<1x80xi32, #tpu.memory_space<vmem>> -> memref<80xi32, #tpu.memory_space<vmem>>
      %dma_wait3A_94 = arith.constant 0 : i32
      %dma_wait3A_95 = arith.constant 0 : i32
      %dma_wait3A_96 = tpu.memref_slice %arg3[%dma_wait3A_94, %dma_wait3A_95] : memref<100000x256xf32, #tpu.memory_space<hbm>> -> memref<100000x256xf32, #tpu.memory_space<hbm>>
      tpu.wait_indirect_dma semaphore(%arg14 : memref<!tpu.dma_semaphore, #tpu.memory_space<semaphore_mem>>) src(%dma_wait3A_96 : memref<100000x256xf32, #tpu.memory_space<hbm>>) dst(%arg9 : memref<80x256xf32, #tpu.memory_space<vmem>>)
      %mul3A_97 = arith.constant 80 : i32
      %mul3A_98 = arith.muli %add3A_90, %mul3A_97 : i32
      %add3A_99 = arith.addi %mul3A_2, %mul3A_98 : i32
      %dma_start3A_100 = arith.constant 0 : i32
      %dma_start3A_101 = tpu.memref_slice %arg4[%add3A_99, %dma_start3A_100] : memref<204800x256xf32, #tpu.memory_space<hbm>> -> memref<80x256xf32, #tpu.memory_space<hbm>>
      %dma_start3A_102 = arith.constant 0 : i32
      %dma_start3A_103 = tpu.memref_slice %arg4[%add3A_99, %dma_start3A_102] : memref<204800x256xf32, #tpu.memory_space<hbm>> -> memref<80x256xf32, #tpu.memory_space<hbm>>
      tpu.enqueue_dma source(%arg9 : memref<80x256xf32, #tpu.memory_space<vmem>>) target(%dma_start3A_103 : memref<80x256xf32, #tpu.memory_space<hbm>>) target_semaphore(%arg19 : memref<!tpu.dma_semaphore, #tpu.memory_space<semaphore_mem>>)
      %add3A_104 = arith.constant 4 : i32
      %add3A_105 = arith.addi %mul3A_44, %add3A_104 : i32
      %dma_wait3A_106 = arith.constant 0 : i32
      %dma_wait3A_107 = tpu.memref_slice %arg5[%add3A_105, %dma_wait3A_106] : memref<80x80xi32, #tpu.memory_space<vmem>> -> memref<1x80xi32, #tpu.memory_space<vmem>>
      %dma_wait3A_108 = tpu.memref_squeeze %dma_wait3A_107 : memref<1x80xi32, #tpu.memory_space<vmem>> -> memref<80xi32, #tpu.memory_space<vmem>>
      %dma_wait3A_109 = arith.constant 0 : i32
      %dma_wait3A_110 = arith.constant 0 : i32
      %dma_wait3A_111 = tpu.memref_slice %arg3[%dma_wait3A_109, %dma_wait3A_110] : memref<100000x256xf32, #tpu.memory_space<hbm>> -> memref<100000x256xf32, #tpu.memory_space<hbm>>
      tpu.wait_indirect_dma semaphore(%arg15 : memref<!tpu.dma_semaphore, #tpu.memory_space<semaphore_mem>>) src(%dma_wait3A_111 : memref<100000x256xf32, #tpu.memory_space<hbm>>) dst(%arg10 : memref<80x256xf32, #tpu.memory_space<vmem>>)
      %mul3A_112 = arith.constant 80 : i32
      %mul3A_113 = arith.muli %add3A_105, %mul3A_112 : i32
      %add3A_114 = arith.addi %mul3A_2, %mul3A_113 : i32
      %dma_start3A_115 = arith.constant 0 : i32
      %dma_start3A_116 = tpu.memref_slice %arg4[%add3A_114, %dma_start3A_115] : memref<204800x256xf32, #tpu.memory_space<hbm>> -> memref<80x256xf32, #tpu.memory_space<hbm>>
      %dma_start3A_117 = arith.constant 0 : i32
      %dma_start3A_118 = tpu.memref_slice %arg4[%add3A_114, %dma_start3A_117] : memref<204800x256xf32, #tpu.memory_space<hbm>> -> memref<80x256xf32, #tpu.memory_space<hbm>>
      tpu.enqueue_dma source(%arg10 : memref<80x256xf32, #tpu.memory_space<vmem>>) target(%dma_start3A_118 : memref<80x256xf32, #tpu.memory_space<hbm>>) target_semaphore(%arg20 : memref<!tpu.dma_semaphore, #tpu.memory_space<semaphore_mem>>)
      %add3A_119 = arith.constant 0 : i32
      %add3A_120 = arith.addi %mul3A_44, %add3A_119 : i32
      %mul3A_121 = arith.constant 80 : i32
      %mul3A_122 = arith.muli %add3A_120, %mul3A_121 : i32
      %add3A_123 = arith.addi %mul3A_2, %mul3A_122 : i32
      %dma_wait3A_124 = arith.constant 0 : i32
      %dma_wait3A_125 = tpu.memref_slice %arg4[%add3A_123, %dma_wait3A_124] : memref<204800x256xf32, #tpu.memory_space<hbm>> -> memref<80x256xf32, #tpu.memory_space<hbm>>
      %dma_wait3A_126 = arith.constant 0 : i32
      %dma_wait3A_127 = tpu.memref_slice %arg4[%add3A_123, %dma_wait3A_126] : memref<204800x256xf32, #tpu.memory_space<hbm>> -> memref<80x256xf32, #tpu.memory_space<hbm>>
      tpu.wait_dma2 semaphore(%arg16 : memref<!tpu.dma_semaphore, #tpu.memory_space<semaphore_mem>>) src(%arg6 : memref<80x256xf32, #tpu.memory_space<vmem>>) dst(%dma_wait3A_127 : memref<80x256xf32, #tpu.memory_space<hbm>>)
      %add3A_128 = arith.constant 5 : i32
      %add3A_129 = arith.addi %add3A_120, %add3A_128 : i32
      %lt3A = arith.constant 80 : i32
      %lt3A_130 = arith.cmpi slt, %add3A_129, %lt3A : i32
      %convert_element_type3A = arith.extui %lt3A_130 : i1 to i32
      %cond3A = arith.constant 0 : i32
      %cond3A_131 = arith.cmpi ne, %convert_element_type3A, %cond3A : i32
      scf.if %cond3A_131 {
        %add3A_196 = arith.constant 5 : i32
        %add3A_197 = arith.addi %add3A_120, %add3A_196 : i32
        %dma_start3A_198 = arith.constant 0 : i32
        %dma_start3A_199 = tpu.memref_slice %arg5[%add3A_197, %dma_start3A_198] : memref<80x80xi32, #tpu.memory_space<vmem>> -> memref<1x80xi32, #tpu.memory_space<vmem>>
        %dma_start3A_200 = tpu.memref_squeeze %dma_start3A_199 : memref<1x80xi32, #tpu.memory_space<vmem>> -> memref<80xi32, #tpu.memory_space<vmem>>
        %dma_start3A_201 = arith.constant 0 : i32
        %dma_start3A_202 = arith.constant 0 : i32
        %dma_start3A_203 = tpu.memref_slice %arg3[%dma_start3A_201, %dma_start3A_202] : memref<100000x256xf32, #tpu.memory_space<hbm>> -> memref<100000x256xf32, #tpu.memory_space<hbm>>
        tpu.enqueue_indirect_dma source(%dma_start3A_203 : memref<100000x256xf32, #tpu.memory_space<hbm>>) target(%arg6 : memref<80x256xf32, #tpu.memory_space<vmem>>) offsets(%dma_start3A_200 : memref<80xi32, #tpu.memory_space<vmem>>) semaphore(%arg11 : memref<!tpu.dma_semaphore, #tpu.memory_space<semaphore_mem>>)
      } else {
      }
      %add3A_132 = arith.constant 1 : i32
      %add3A_133 = arith.addi %mul3A_44, %add3A_132 : i32
      %mul3A_134 = arith.constant 80 : i32
      %mul3A_135 = arith.muli %add3A_133, %mul3A_134 : i32
      %add3A_136 = arith.addi %mul3A_2, %mul3A_135 : i32
      %dma_wait3A_137 = arith.constant 0 : i32
      %dma_wait3A_138 = tpu.memref_slice %arg4[%add3A_136, %dma_wait3A_137] : memref<204800x256xf32, #tpu.memory_space<hbm>> -> memref<80x256xf32, #tpu.memory_space<hbm>>
      %dma_wait3A_139 = arith.constant 0 : i32
      %dma_wait3A_140 = tpu.memref_slice %arg4[%add3A_136, %dma_wait3A_139] : memref<204800x256xf32, #tpu.memory_space<hbm>> -> memref<80x256xf32, #tpu.memory_space<hbm>>
      tpu.wait_dma2 semaphore(%arg17 : memref<!tpu.dma_semaphore, #tpu.memory_space<semaphore_mem>>) src(%arg7 : memref<80x256xf32, #tpu.memory_space<vmem>>) dst(%dma_wait3A_140 : memref<80x256xf32, #tpu.memory_space<hbm>>)
      %add3A_141 = arith.constant 5 : i32
      %add3A_142 = arith.addi %add3A_133, %add3A_141 : i32
      %lt3A_143 = arith.constant 80 : i32
      %lt3A_144 = arith.cmpi slt, %add3A_142, %lt3A_143 : i32
      %convert_element_type3A_145 = arith.extui %lt3A_144 : i1 to i32
      %cond3A_146 = arith.constant 0 : i32
      %cond3A_147 = arith.cmpi ne, %convert_element_type3A_145, %cond3A_146 : i32
      scf.if %cond3A_147 {
        %add3A_196 = arith.constant 5 : i32
        %add3A_197 = arith.addi %add3A_133, %add3A_196 : i32
        %dma_start3A_198 = arith.constant 0 : i32
        %dma_start3A_199 = tpu.memref_slice %arg5[%add3A_197, %dma_start3A_198] : memref<80x80xi32, #tpu.memory_space<vmem>> -> memref<1x80xi32, #tpu.memory_space<vmem>>
        %dma_start3A_200 = tpu.memref_squeeze %dma_start3A_199 : memref<1x80xi32, #tpu.memory_space<vmem>> -> memref<80xi32, #tpu.memory_space<vmem>>
        %dma_start3A_201 = arith.constant 0 : i32
        %dma_start3A_202 = arith.constant 0 : i32
        %dma_start3A_203 = tpu.memref_slice %arg3[%dma_start3A_201, %dma_start3A_202] : memref<100000x256xf32, #tpu.memory_space<hbm>> -> memref<100000x256xf32, #tpu.memory_space<hbm>>
        tpu.enqueue_indirect_dma source(%dma_start3A_203 : memref<100000x256xf32, #tpu.memory_space<hbm>>) target(%arg7 : memref<80x256xf32, #tpu.memory_space<vmem>>) offsets(%dma_start3A_200 : memref<80xi32, #tpu.memory_space<vmem>>) semaphore(%arg12 : memref<!tpu.dma_semaphore, #tpu.memory_space<semaphore_mem>>)
      } else {
      }
      %add3A_148 = arith.constant 2 : i32
      %add3A_149 = arith.addi %mul3A_44, %add3A_148 : i32
      %mul3A_150 = arith.constant 80 : i32
      %mul3A_151 = arith.muli %add3A_149, %mul3A_150 : i32
      %add3A_152 = arith.addi %mul3A_2, %mul3A_151 : i32
      %dma_wait3A_153 = arith.constant 0 : i32
      %dma_wait3A_154 = tpu.memref_slice %arg4[%add3A_152, %dma_wait3A_153] : memref<204800x256xf32, #tpu.memory_space<hbm>> -> memref<80x256xf32, #tpu.memory_space<hbm>>
      %dma_wait3A_155 = arith.constant 0 : i32
      %dma_wait3A_156 = tpu.memref_slice %arg4[%add3A_152, %dma_wait3A_155] : memref<204800x256xf32, #tpu.memory_space<hbm>> -> memref<80x256xf32, #tpu.memory_space<hbm>>
      tpu.wait_dma2 semaphore(%arg18 : memref<!tpu.dma_semaphore, #tpu.memory_space<semaphore_mem>>) src(%arg8 : memref<80x256xf32, #tpu.memory_space<vmem>>) dst(%dma_wait3A_156 : memref<80x256xf32, #tpu.memory_space<hbm>>)
      %add3A_157 = arith.constant 5 : i32
      %add3A_158 = arith.addi %add3A_149, %add3A_157 : i32
      %lt3A_159 = arith.constant 80 : i32
      %lt3A_160 = arith.cmpi slt, %add3A_158, %lt3A_159 : i32
      %convert_element_type3A_161 = arith.extui %lt3A_160 : i1 to i32
      %cond3A_162 = arith.constant 0 : i32
      %cond3A_163 = arith.cmpi ne, %convert_element_type3A_161, %cond3A_162 : i32
      scf.if %cond3A_163 {
        %add3A_196 = arith.constant 5 : i32
        %add3A_197 = arith.addi %add3A_149, %add3A_196 : i32
        %dma_start3A_198 = arith.constant 0 : i32
        %dma_start3A_199 = tpu.memref_slice %arg5[%add3A_197, %dma_start3A_198] : memref<80x80xi32, #tpu.memory_space<vmem>> -> memref<1x80xi32, #tpu.memory_space<vmem>>
        %dma_start3A_200 = tpu.memref_squeeze %dma_start3A_199 : memref<1x80xi32, #tpu.memory_space<vmem>> -> memref<80xi32, #tpu.memory_space<vmem>>
        %dma_start3A_201 = arith.constant 0 : i32
        %dma_start3A_202 = arith.constant 0 : i32
        %dma_start3A_203 = tpu.memref_slice %arg3[%dma_start3A_201, %dma_start3A_202] : memref<100000x256xf32, #tpu.memory_space<hbm>> -> memref<100000x256xf32, #tpu.memory_space<hbm>>
        tpu.enqueue_indirect_dma source(%dma_start3A_203 : memref<100000x256xf32, #tpu.memory_space<hbm>>) target(%arg8 : memref<80x256xf32, #tpu.memory_space<vmem>>) offsets(%dma_start3A_200 : memref<80xi32, #tpu.memory_space<vmem>>) semaphore(%arg13 : memref<!tpu.dma_semaphore, #tpu.memory_space<semaphore_mem>>)
      } else {
      }
      %add3A_164 = arith.constant 3 : i32
      %add3A_165 = arith.addi %mul3A_44, %add3A_164 : i32
      %mul3A_166 = arith.constant 80 : i32
      %mul3A_167 = arith.muli %add3A_165, %mul3A_166 : i32
      %add3A_168 = arith.addi %mul3A_2, %mul3A_167 : i32
      %dma_wait3A_169 = arith.constant 0 : i32
      %dma_wait3A_170 = tpu.memref_slice %arg4[%add3A_168, %dma_wait3A_169] : memref<204800x256xf32, #tpu.memory_space<hbm>> -> memref<80x256xf32, #tpu.memory_space<hbm>>
      %dma_wait3A_171 = arith.constant 0 : i32
      %dma_wait3A_172 = tpu.memref_slice %arg4[%add3A_168, %dma_wait3A_171] : memref<204800x256xf32, #tpu.memory_space<hbm>> -> memref<80x256xf32, #tpu.memory_space<hbm>>
      tpu.wait_dma2 semaphore(%arg19 : memref<!tpu.dma_semaphore, #tpu.memory_space<semaphore_mem>>) src(%arg9 : memref<80x256xf32, #tpu.memory_space<vmem>>) dst(%dma_wait3A_172 : memref<80x256xf32, #tpu.memory_space<hbm>>)
      %add3A_173 = arith.constant 5 : i32
      %add3A_174 = arith.addi %add3A_165, %add3A_173 : i32
      %lt3A_175 = arith.constant 80 : i32
      %lt3A_176 = arith.cmpi slt, %add3A_174, %lt3A_175 : i32
      %convert_element_type3A_177 = arith.extui %lt3A_176 : i1 to i32
      %cond3A_178 = arith.constant 0 : i32
      %cond3A_179 = arith.cmpi ne, %convert_element_type3A_177, %cond3A_178 : i32
      scf.if %cond3A_179 {
        %add3A_196 = arith.constant 5 : i32
        %add3A_197 = arith.addi %add3A_165, %add3A_196 : i32
        %dma_start3A_198 = arith.constant 0 : i32
        %dma_start3A_199 = tpu.memref_slice %arg5[%add3A_197, %dma_start3A_198] : memref<80x80xi32, #tpu.memory_space<vmem>> -> memref<1x80xi32, #tpu.memory_space<vmem>>
        %dma_start3A_200 = tpu.memref_squeeze %dma_start3A_199 : memref<1x80xi32, #tpu.memory_space<vmem>> -> memref<80xi32, #tpu.memory_space<vmem>>
        %dma_start3A_201 = arith.constant 0 : i32
        %dma_start3A_202 = arith.constant 0 : i32
        %dma_start3A_203 = tpu.memref_slice %arg3[%dma_start3A_201, %dma_start3A_202] : memref<100000x256xf32, #tpu.memory_space<hbm>> -> memref<100000x256xf32, #tpu.memory_space<hbm>>
        tpu.enqueue_indirect_dma source(%dma_start3A_203 : memref<100000x256xf32, #tpu.memory_space<hbm>>) target(%arg9 : memref<80x256xf32, #tpu.memory_space<vmem>>) offsets(%dma_start3A_200 : memref<80xi32, #tpu.memory_space<vmem>>) semaphore(%arg14 : memref<!tpu.dma_semaphore, #tpu.memory_space<semaphore_mem>>)
      } else {
      }
      %add3A_180 = arith.constant 4 : i32
      %add3A_181 = arith.addi %mul3A_44, %add3A_180 : i32
      %mul3A_182 = arith.constant 80 : i32
      %mul3A_183 = arith.muli %add3A_181, %mul3A_182 : i32
      %add3A_184 = arith.addi %mul3A_2, %mul3A_183 : i32
      %dma_wait3A_185 = arith.constant 0 : i32
      %dma_wait3A_186 = tpu.memref_slice %arg4[%add3A_184, %dma_wait3A_185] : memref<204800x256xf32, #tpu.memory_space<hbm>> -> memref<80x256xf32, #tpu.memory_space<hbm>>
      %dma_wait3A_187 = arith.constant 0 : i32
      %dma_wait3A_188 = tpu.memref_slice %arg4[%add3A_184, %dma_wait3A_187] : memref<204800x256xf32, #tpu.memory_space<hbm>> -> memref<80x256xf32, #tpu.memory_space<hbm>>
      tpu.wait_dma2 semaphore(%arg20 : memref<!tpu.dma_semaphore, #tpu.memory_space<semaphore_mem>>) src(%arg10 : memref<80x256xf32, #tpu.memory_space<vmem>>) dst(%dma_wait3A_188 : memref<80x256xf32, #tpu.memory_space<hbm>>)
      %add3A_189 = arith.constant 5 : i32
      %add3A_190 = arith.addi %add3A_181, %add3A_189 : i32
      %lt3A_191 = arith.constant 80 : i32
      %lt3A_192 = arith.cmpi slt, %add3A_190, %lt3A_191 : i32
      %convert_element_type3A_193 = arith.extui %lt3A_192 : i1 to i32
      %cond3A_194 = arith.constant 0 : i32
      %cond3A_195 = arith.cmpi ne, %convert_element_type3A_193, %cond3A_194 : i32
      scf.if %cond3A_195 {
        %add3A_196 = arith.constant 5 : i32
        %add3A_197 = arith.addi %add3A_181, %add3A_196 : i32
        %dma_start3A_198 = arith.constant 0 : i32
        %dma_start3A_199 = tpu.memref_slice %arg5[%add3A_197, %dma_start3A_198] : memref<80x80xi32, #tpu.memory_space<vmem>> -> memref<1x80xi32, #tpu.memory_space<vmem>>
        %dma_start3A_200 = tpu.memref_squeeze %dma_start3A_199 : memref<1x80xi32, #tpu.memory_space<vmem>> -> memref<80xi32, #tpu.memory_space<vmem>>
        %dma_start3A_201 = arith.constant 0 : i32
        %dma_start3A_202 = arith.constant 0 : i32
        %dma_start3A_203 = tpu.memref_slice %arg3[%dma_start3A_201, %dma_start3A_202] : memref<100000x256xf32, #tpu.memory_space<hbm>> -> memref<100000x256xf32, #tpu.memory_space<hbm>>
        tpu.enqueue_indirect_dma source(%dma_start3A_203 : memref<100000x256xf32, #tpu.memory_space<hbm>>) target(%arg10 : memref<80x256xf32, #tpu.memory_space<vmem>>) offsets(%dma_start3A_200 : memref<80xi32, #tpu.memory_space<vmem>>) semaphore(%arg15 : memref<!tpu.dma_semaphore, #tpu.memory_space<semaphore_mem>>)
      } else {
      }
    }
    %scan3A_41 = arith.constant 16 : i32
    return
  }
}

</mosaic_0001>

<sc_bundles>
// kernel: _lookup.3.cloned.1.call-start
scs
__scs_entry_jumppad:
0x0: {  	(pc) =	sbr.rel $0x88, $3  }
0x1: {  	(tag) =	ssettag $0x0;
	lr =	simm.s32 $0x1  }
0x2: {  	[smem:$0x3F9F] =	sst lr;
	_ =	strace $0xD0000000  }
0x3: {  	_ = 	snop  }
0x4: {  	_ = 	snop  }
0x5: {  	_ = 	snop  }
0x6: {  	_ = 	snop  }
0x7: {  	_ = 	snop  }
__scs_overlays_trampoline_lowered:
0x8: {  	[smem:$0x3FAE] =	sst s0  }
0x9: {  	[smem:$0x3FAF] =	sst s1  }
0xa: {  	[smem:$0x3FB0] =	sst s2  }
0xb: {  	[smem:$0x3FB1] =	sst s3  }
0xc: {  	[smem:$0x3FB2] =	sst s4  }
0xd: {  	[smem:$0x3FB3] =	sst s5  }
0xe: {  	[smem:$0x3FB4] =	sst s6  }
0xf: {  	[smem:$0x3FB5] =	sst s7  }
0x10: {  	[smem:$0x3FB6] =	sst s8  }
0x11: {  	[smem:$0x3FB7] =	sst s9;
	s0 =	simm.s32 @!p0 $0x0  }
0x12: {  	s1 =	sld [smem:$0x3F9D];
	s0 =	simm.s32 @p0 $0x1  }
0x13: {  	[smem:$0x3FB8] =	sst s0;
	s0 =	simm.s32 @!p1 $0x0  }
0x14: {  	s2 =	sld [smem:$0x3F9C];
	s0 =	simm.s32 @p1 $0x1  }
0x15: {  	[smem:$0x3FB9] =	sst s0;
	s0 =	simm.s32 @!p2 $0x0  }
0x16: {  	s3 =	sld [smem:$0x3FDB];
	s0 =	simm.s32 @p2 $0x1  }
0x17: {  	s4 =	simm.s32 $0x1BF5;
	[smem:$0x3FBB] =	sst s0  }
0x18: {  	s0 =	sld [smem:$0x3F9E];
	_ =	swait.ge [sflag:s4], $0x0  }
0x19: {  	s7 =	sld [smem:$0x3F9F]  }
0x1a: {  	s8 =	sadd.s32 $0xFFFFE003, lr  }
0x1b: {  	s9 =	sadd.s32 $0xFFFFFEF7, lr;
	s5 =	simm.s32 $0xFFFFFFFF;
	p2 =	slt.u32 s8, $0xFFFFF086  }
0x1c: {  	p1 =	slt.u32 s9, $0xF7A;
	s5 =	simm.s32 @!p2 $0x0  }
0x1d: {  	s5 =	simm.s32 @p1 $0x1;
	p0 =	seq.s32 s7, s2  }
0x1e: {  	s7 =	smul.u32 @!p0 $0xF7A, s2;
	p2 =	seq.s32 @!p0 s5, $0x0  }
0x1f: {  	s9 =	smul.u32 $0xF7A, s1;
	s8 =	simm.s32 @!p0 $0x1BF5;
	p2 =	por !p2, p0  }
0x20: {  	[sflag:s8] =	ssyncset.s32 @!p0 $0xFFFFF086;
	s6 =	sadd.s32 @!p0 s3, s7;
	s7 =	simm.s32 @!p0 $0x108  }
0x21: {  	s3 =	sadd.s32 s3, s9;
	s6 =	sadd.s32 @!p0 $0x88, s6;
	s7 =	simm.s32 @p2 $0x1082  }
0x22: {  	[simem:s7], [sflag:s8] =	dma.local @!p0 [hbm:s6], $0xF7A  }
0x23: {  	s9 =	sor.u32 $0xD0000000, s2;
	s6 =	simm.s32 $0x108;
	_ =	swait.ge @!p0 [sflag:s8], $0x0  }
0x24: {  	s3 =	sadd.s32 $0x88, s3;
	s6 =	simm.s32 @!p1 $0x1082;
	[sflag:s4] =	ssyncset.s32 $0xFFFFF086  }
0x25: {  	[simem:s6], [sflag:s4] =	dma.local [hbm:s3], $0xF7A  }
0x26: {  	[smem:$0x3F9F] =	sst s1;
	(tag) =	ssettag s2;
	_ =	strace s9  }
0x27: {  	s1 =	sld [smem:$0x3FAF]  }
0x28: {  	s2 =	sld [smem:$0x3FB0]  }
0x29: {  	s4 =	sld [smem:$0x3FB2]  }
0x2a: {  	p0 =	seq.s32 s5, $0x0;
	s5 =	sld [smem:$0x3FB3]  }
0x2b: {  	s6 =	sld [smem:$0x3FB4]  }
0x2c: {  	s7 =	sld [smem:$0x3FB5]  }
0x2d: {  	s3 =	simm.s32 $0x108;
	s8 =	sld [smem:$0x3FB6]  }
0x2e: {  	s3 =	simm.s32 @!p0 $0x1082;
	s9 =	sld [smem:$0x3FB7]  }
0x2f: {  	lr =	sadd.s32 s0, s3;
	s0 =	sld [smem:$0x3FAE]  }
0x30: {  	s3 =	sld [smem:$0x3FB1]  }
0x31: {  	[smem:$0x3FBA] =	sst s10  }
0x32: {  	s10 =	sld [smem:$0x3FB8];
	_ =	sdelay $0x3  }
0x33: {  	p0 =	seq.s32 s10, $0x1;
	s10 =	sld [smem:$0x3FBA];
	_ =	sdelay $0x3  }
0x34: {  	[smem:$0x3FBA] =	sst s10  }
0x35: {  	s10 =	sld [smem:$0x3FB9];
	_ =	sdelay $0x3  }
0x36: {  	p1 =	seq.s32 s10, $0x1;
	s10 =	sld [smem:$0x3FBA];
	_ =	sdelay $0x3  }
0x37: {  	[smem:$0x3FBA] =	sst s10  }
0x38: {  	s10 =	sld [smem:$0x3FBB]  }
0x39: {  	_ = 	snop;
	(pc) =	sbr.ind lr, $3  }
0x3a: {  	_ = 	snop  }
0x3b: {  	_ = 	snop  }
0x3c: {  	p2 =	seq.s32 s10, $0x1;
	s10 =	sld [smem:$0x3FBA]  }
0x3d: {  	_ =	shalt  }
0x3e: {  	_ =	shalt  }
0x3f: {  	_ =	shalt  }
0x40: {  	_ =	shalt  }
0x41: {  	_ =	shalt  }
0x42: {  	_ =	shalt  }
0x43: {  	_ =	shalt  }
0x44: {  	_ =	shalt  }
0x45: {  	_ =	shalt  }
0x46: {  	_ =	shalt  }
0x47: {  	_ =	shalt  }
0x48: {  	_ =	shalt  }
0x49: {  	_ =	shalt  }
0x4a: {  	_ =	shalt  }
0x4b: {  	_ =	shalt  }
0x4c: {  	_ =	shalt  }
0x4d: {  	_ =	shalt  }
0x4e: {  	_ =	shalt  }
0x4f: {  	_ =	shalt  }
0x50: {  	_ =	shalt  }
0x51: {  	_ =	shalt  }
0x52: {  	_ =	shalt  }
0x53: {  	_ =	shalt  }
0x54: {  	_ =	shalt  }
0x55: {  	_ =	shalt  }
0x56: {  	_ =	shalt  }
0x57: {  	_ =	shalt  }
0x58: {  	_ =	shalt  }
0x59: {  	_ =	shalt  }
0x5a: {  	_ =	shalt  }
0x5b: {  	_ =	shalt  }
0x5c: {  	_ =	shalt  }
0x5d: {  	_ =	shalt  }
0x5e: {  	_ =	shalt  }
0x5f: {  	_ =	shalt  }
0x60: {  	_ =	shalt  }
0x61: {  	_ =	shalt  }
0x62: {  	_ =	shalt  }
0x63: {  	_ =	shalt  }
0x64: {  	_ =	shalt  }
0x65: {  	_ =	shalt  }
0x66: {  	_ =	shalt  }
0x67: {  	_ =	shalt  }
0x68: {  	_ =	shalt  }
0x69: {  	_ =	shalt  }
0x6a: {  	_ =	shalt  }
0x6b: {  	_ =	shalt  }
0x6c: {  	_ =	shalt  }
0x6d: {  	_ =	shalt  }
0x6e: {  	_ =	shalt  }
0x6f: {  	_ =	shalt  }
0x70: {  	_ =	shalt  }
0x71: {  	_ =	shalt  }
0x72: {  	_ =	shalt  }
0x73: {  	_ =	shalt  }
0x74: {  	_ =	shalt  }
0x75: {  	_ =	shalt  }
0x76: {  	_ =	shalt  }
0x77: {  	_ =	shalt  }
0x78: {  	_ =	shalt  }
0x79: {  	_ =	shalt  }
0x7a: {  	_ =	shalt  }
0x7b: {  	_ =	shalt  }
0x7c: {  	_ =	shalt  }
0x7d: {  	_ =	shalt  }
0x7e: {  	_ =	shalt  }
0x7f: {  	_ =	shalt  }
0x80: {  	_ =	shalt  }
0x81: {  	_ =	shalt  }
0x82: {  	_ =	shalt  }
0x83: {  	_ =	shalt  }
0x84: {  	_ =	shalt  }
0x85: {  	_ =	shalt  }
0x86: {  	_ =	shalt  }
0x87: {  	_ =	shalt  }
.Lfunc_end0:
.L_simem_size_0:
called_computation_lowered:
.L_overlay_start_0:
0x88: {  	s2 =	sld [smem:$0x3FD9]  }
0x89: {  	s3 =	sld [smem:$0x3FFE];
	_ =	sdelay $0x1  }
0x8a: {  	s1 =	srdreg.scid  }
0x8b: {  	s0 =	sand.u32 $0x1, s1  }
0x8c: {  	s18 =	sshll.u32 s0, $0xA;
	s2 =	sadd.s32 s3, s2  }
0x8d: {  	s2 =	sadd.s32 s2, s18  }
0x8e: {  	[smem:$0x3FC6] =	sst s2  }
0x8f: {  	_ = 	snop  }
0x90: {  	s2 =	sld [smem:$0x3FC9]  }
0x91: {  	s19 =	sld [smem:$0x3FC8]  }
0x92: {  	s4 =	sld [smem:$0x3FD0];
	(tm) =	ssettm $0x1  }
0x93: {  	s5 =	sld [smem:$0x3FFB];
	_ =	sdelay $0x3  }
0x94: {  	_ =	strace s5  }
0x95: {  	s5 =	sld [smem:$0x3FFC];
	_ =	sdelay $0x3  }
0x96: {  	_ =	strace s5  }
0x97: {  	s5 =	sld [smem:$0x3FFD];
	_ =	sdelay $0x3  }
0x98: {  	_ =	strace s5  }
0x99: {  	_ =	strace $0x8FFFFFFF  }
0x9a: {  	s20 =	sld [smem:$0x3FDB];
	_ =	sdelay $0x1  }
0x9b: {  	s6 =	simm.s32 $_scs_section_size  }
0x9c: {  	s7 =	simm.s32 $_size__tile_overlayer_lowered;
	s8 =	simm.s32 $_tile_overlayer_lowered  }
0x9d: {  	s23 =	simm.s32 $0x1BFF;
	s22 =	sshll.u32 s8, $0x1;
	s5 =	sadd.s32 s6, s20  }
0x9e: {  	s9 =	simm.s32 $0x0;
	s21 =	sshll.u32 s7, $0x1;
	s7 =	sadd.s32 s22, s5  }
0x9f: {  	[timem:s9], [sflag:s23] =	dma.local [hbm:s7], s21  }
0xa0: {  	_ =	swait.ge [sflag:s23], s21  }
0xa1: {  	s6 =	ssub.s32 $0x0, s21;
	[sflag:s23] =	ssyncset.done $0x0  }
0xa2: {  	[sflag:s23] =	ssyncadd.s32 s6;
	_ =	sdelay $0x1  }
0xa3: {  	s24 =	simm.s32 $0x1B8B  }
0xa4: {  	_ =	swait.ge [sflag:s24], $0x1  }
0xa5: {  	[sflag:s24] =	ssyncset.done $0x0  }
0xa6: {  	s25 =	simm.s32 $0x1B8E;
	[sflag:s24] =	ssyncadd.s32 $0xFFFFFFFF  }
0xa7: {  	s26 =	simm.s32 $execute0_lowered;
	[smem:$0x3FD2] =	sst s25  }
0xa8: {  	s6 =	sshll.u32 s26, $0x1;
	_ =	strace $0x80000046;
	[dreg:$0x1] =	wrdreg $0xFFFFFFFF  }
0xa9: {  	s28 =	simm.s32 $_size_execute0_lowered;
	s5 =	sadd.s32 s5, s6;
	[dreg:$0x0] =	wrdreg $0x0  }
0xaa: {  	s6 =	sshll.u32 s28, $0x1;
	[dreg:$0x2] =	wrdreg s5  }
0xab: {  	[dreg:$0x3] =	wrdreg s6  }
0xac: {  	[dreg:$0x4] =	wrdreg $0xC0  }
0xad: {  	_ =	task [dreg:s9], $0x5FFFF  }
0xae: {  	[dreg:$0x1] =	wrdreg $0xFFFFFFFF  }
0xaf: {  	[dreg:$0x0] =	wrdreg $0x60  }
0xb0: {  	[dreg:$0x2] =	wrdreg s2  }
0xb1: {  	[dreg:$0x3] =	wrdreg s19  }
0xb2: {  	[dreg:$0x4] =	wrdreg s4  }
0xb3: {  	[dreg:$0x5] =	wrdreg $0x9  }
0xb4: {  	_ =	task.clear_ibuf [dreg:s9], $0x6FFFF;
	_ =	strace $0x90000046  }
0xb5: {  	s29 =	simm.s32 $0x9;
	_ =	strace $0x80000048  }
0xb6: {  	_ =	swait.ge [sflag:s29], $0x1  }
0xb7: {  	[sflag:s29] =	ssyncadd.s32 $0xFFFFFFFF  }
0xb8: {  	_ =	strace $0x90000048  }
0xb9: {  	_ =	sfence  }
0xba: {  	s30 =	sld [smem:$0x0];
	_ =	sdelay $0x2  }
0xbb: {  	s31 =	sshll.u32 s1, $0xD;
	s1 =	sshrl.u32 s1, $0x2  }
0xbc: {  	s3 =	sand.u32 $0x4000, s31;
	s1 =	sadd.s32 s1, s30  }
0xbd: {  	s0 =	sor.u32 s3, s0;
	s1 =	sshll.u32 s1, $0x11  }
0xbe: {  	s0 =	sor.u32 s1, s0  }
0xbf: {  	s0 =	sadd.s32 $0x8F2B, s0  }
0xc0: {  	[sflag:s0] =	ssyncadd.remote.s32 $0x1  }
0xc1: {  	_ =	sfence.sel $0xFFFF  }
0xc2: {  	[dreg:$0x0] =	wrdreg $0xFFFFFFFF;
	(pc) =	sbr.abs _section_cstart, $3  }
0xc3: {  	[dreg:$0x1] =	wrdreg $0xFFFFFFFF  }
0xc4: {  	_ =	task.clear_ibuf [dreg:s9], $0x2FFFF;
	_ =	strace $0x9FFFFFFF  }
0xc5: {  	(tm) =	ssettm $0x7FFFFFFF  }
tec
execute0_lowered:
.L_overlay_start_1:
0x0: {  	(tag) =	ssettag $0x1  }
0x1: {  	s0 =	rddreg [dreg:$0x0]  }
0x2: {  	s2 =	rddreg [dreg:$0x1]  }
0x3: {  	s1 =	srdreg.scid;
	s8 =	stileid.u32  }
0x4: {  	s4 =	rddreg [dreg:$0x2];
	s18 =	simm.s32 $0x7800;
	s29 =	simm.s32 $0xC800  }
0x5: {  	s11 =	simm.s32 $0x11800;
	s22 =	simm.s32 $0x16800;
	s23 =	simm.s32 $0x17000  }
0x6: {  	s24 =	simm.s32 $0x17800;
	s28 =	simm.s32 $0x19000;
	s30 =	simm.s32 $0x19800  }
0x7: {  	s31 =	simm.s32 $0x1A000;
	s9 =	simm.s32 $0x4;
	s10 =	simm.s32 $0x5  }
0x8: {  	s12 =	simm.s32 $0x6;
	s13 =	simm.s32 $0x7;
	s14 =	simm.s32 $0x8  }
0x9: {  	s15 =	simm.s32 $0x9;
	s1 =	sand.u32 $0x1, s1;
	s3 =	sshll.u32 s8, $0x1  }
0xa: {  	s16 =	simm.s32 $0xA;
	s8 =	smul.u32 $0x64000, s8;
	s5 =	sor.u32 s1, s3  }
0xb: {  	s3 =	simm.s32 $0x0;
	s6 =	ssub.s32 $0x2, s1;
	s1 =	smul.u32 $0x32000, s1  }
0xc: {  	s19 =	simm.s32 $0x0;
	s5 =	smul.u32 $0x500, s5;
	[smem:$0x7FF] =	sst s3  }
0xd: {  	s7 =	sshrl.u32 s6, $0x1;
	s26 =	sadd.s32 s8, s4;
	s8 =	simm.s32 $0x2800  }
.Ltmp0:
0xe: {  	s4 =	simm.s32 $0x1;
	_ =	strace $0x80000047;
	(pc) =	sbr.rel .LBB2_1-.Ltmp0, $4  }
0xf: {  	s6 =	ssub.s32 s6, s7;
	s7 =	simm.s32 $0x3;
	s0 =	sadd.s32 s0, s5  }
0x10: {  	v2 =	vlaneseq.u32;
	s25 =	smax.u32 s6, $0x1;
	s6 =	sadd.s32 s1, s26;
	s26 =	simm.s32 $0x18800  }
0x11: {  	vm0 =	vmmov $0xffff;
	v1 =	vshrl.u32 v2, $0x3;
	s1 =	simm.s32 $0x1A800;
	s5 =	simm.s32 $0x2;
	[dreg:$0x4] =	wrdreg s0  }
0x12: {  	v0 =	vand.u32 $0x7, v2;
	v2 =	vor.u32 $0x8, v2;
	v1 =	vmul.u32 $0x8, v1;
	[dreg:$0x5] =	wrdreg s25;
	s25 =	simm.s32 $0x18000;
	s0 =	simm.s32 $0x1B000  }
.LBB2_4:
0x13: {  	_ =	swait.ge [sflag:s13], $0x5000  }
0x14: {  	[sflag:s13] =	ssyncset.done $0x0  }
0x15: {  	[sflag:s13] =	ssyncadd.s32 $0xFFFFB000  }
0x16: {  	_ =	swait.ge [sflag:s14], $0x5000  }
0x17: {  	[sflag:s14] =	ssyncset.done $0x0  }
0x18: {  	[sflag:s14] =	ssyncadd.s32 $0xFFFFB000  }
0x19: {  	_ =	swait.ge [sflag:s15], $0x5000  }
0x1a: {  	[sflag:s15] =	ssyncset.done $0x0  }
0x1b: {  	[sflag:s15] =	ssyncadd.s32 $0xFFFFB000  }
0x1c: {  	_ =	swait.ge [sflag:s16], $0x5000  }
0x1d: {  	s19 =	rddreg [dreg:$0x6]  }
0x1e: {  	s17 =	rddreg [dreg:$0x5];
	s19 =	sadd.s32 $0x1, s19  }
0x1f: {  	p0 =	sne.s32 s19, s17  }
.Ltmp1:
0x20: {  	_ = 	snop;
	(pc) =	sbr.rel @!p0 .LBB2_5-.Ltmp1, $3  }
0x21: {  	_ =	sdelay $0x1  }
0x22: {  	[sflag:s16] =	ssyncset.done $0x0  }
0x23: {  	[sflag:s16] =	ssyncadd.s32 $0xFFFFB000  }
.LBB2_1:
0x24: {  	[dreg:$0x6] =	wrdreg s19  }
0x25: {  	s17 =	rddreg [dreg:$0x4];
	s21 =	simm.s32 $0xB  }
0x26: {  	[tilespmem:s3], [sflag:$0xB] =	stream.linear.gather [hbm4b:s17+s3], $0x2800, $0x38;
	[tilespmem:$0x1B800] =	vst v63  }
0x27: {  	_ =	swait.ge [sflag:s21], $0x2800  }
0x28: {  	[sflag:s21] =	ssyncset.done $0x0  }
0x29: {  	[sflag:s21] =	ssyncadd.s32 $0xFFFFD800  }
0x2a: {  	v3 =	vld [tilespmem:$0x0];
	_ =	sdelay $0x4  }
0x2b: {  	v4 =	vshll.u32 v3, $0x1  }
0x2c: {  	v3 =	vand.u32 $0x7, v3;
	v4 =	vand.u32 $0xFFFFFFF0, v4  }
0x2d: {  	v3 =	vor.u32 v3, v4  }
0x2e: {  	v4 =	vperm.xlane v3, v0;
	_ =	sdelay $0x1  }
0x2f: {  	v3 =	vperm.xlane v3, v2;
	v4 =	vadd.s32 v1, v4;
	_ =	sdelay $0x1  }
0x30: {  	v3 =	vadd.s32 v1, v3;
	_ =	sdelay $0x2  }
0x31: {  	[tilespmem:s8], [sflag:$0x1] =	stream.indirect_vreg.gather [hbm4b:s2+s3], $0x80, v4, vm0, $0xb8;
	[tilespmem:$0x1B800] =	vst v63  }
0x32: {  	s19 =	simm.s32 $0x3000  }
0x33: {  	[tilespmem:s19], [sflag:$0x1] =	stream.indirect_vreg.gather [hbm4b:s2+s3], $0x80, v3, vm0, $0xb8;
	[tilespmem:$0x1B800] =	vst v63  }
0x34: {  	v3 =	vld [tilespmem:$0x10];
	_ =	sdelay $0x4  }
0x35: {  	v40 =	vshll.u32 v3, $0x1  }
0x36: {  	v3 =	vand.u32 $0x7, v3;
	v4 =	vand.u32 $0xFFFFFFF0, v40  }
0x37: {  	v3 =	vor.u32 v3, v4  }
0x38: {  	v4 =	vperm.xlane v3, v0;
	_ =	sdelay $0x1  }
0x39: {  	v3 =	vperm.xlane v3, v2;
	v4 =	vadd.s32 v1, v4;
	_ =	sdelay $0x1  }
0x3a: {  	v3 =	vadd.s32 v1, v3;
	_ =	sdelay $0x1  }
0x3b: {  	s20 =	simm.s32 $0x3800  }
0x3c: {  	[tilespmem:s20], [sflag:$0x1] =	stream.indirect_vreg.gather [hbm4b:s2+s3], $0x80, v4, vm0, $0xb8;
	[tilespmem:$0x1B800] =	vst v63  }
0x3d: {  	s21 =	simm.s32 $0x4000  }
0x3e: {  	[tilespmem:s21], [sflag:$0x1] =	stream.indirect_vreg.gather [hbm4b:s2+s3], $0x80, v3, vm0, $0xb8;
	[tilespmem:$0x1B800] =	vst v63  }
0x3f: {  	v3 =	vld [tilespmem:$0x20];
	_ =	sdelay $0x4  }
0x40: {  	v41 =	vshll.u32 v3, $0x1  }
0x41: {  	v3 =	vand.u32 $0x7, v3;
	v4 =	vand.u32 $0xFFFFFFF0, v41  }
0x42: {  	v3 =	vor.u32 v3, v4  }
0x43: {  	v4 =	vperm.xlane v3, v0;
	_ =	sdelay $0x1  }
0x44: {  	v3 =	vperm.xlane v3, v2;
	v4 =	vadd.s32 v1, v4;
	_ =	sdelay $0x1  }
0x45: {  	v3 =	vadd.s32 v1, v3;
	_ =	sdelay $0x1  }
0x46: {  	s19 =	simm.s32 $0x4800  }
0x47: {  	[tilespmem:s19], [sflag:$0x1] =	stream.indirect_vreg.gather [hbm4b:s2+s3], $0x80, v4, vm0, $0xb8;
	[tilespmem:$0x1B800] =	vst v63  }
0x48: {  	s20 =	simm.s32 $0x5000  }
0x49: {  	[tilespmem:s20], [sflag:$0x1] =	stream.indirect_vreg.gather [hbm4b:s2+s3], $0x80, v3, vm0, $0xb8;
	[tilespmem:$0x1B800] =	vst v63  }
0x4a: {  	v3 =	vld [tilespmem:$0x30];
	_ =	sdelay $0x4  }
0x4b: {  	v42 =	vshll.u32 v3, $0x1  }
0x4c: {  	v3 =	vand.u32 $0x7, v3;
	v4 =	vand.u32 $0xFFFFFFF0, v42  }
0x4d: {  	v3 =	vor.u32 v3, v4  }
0x4e: {  	v4 =	vperm.xlane v3, v0;
	_ =	sdelay $0x1  }
0x4f: {  	v3 =	vperm.xlane v3, v2;
	v4 =	vadd.s32 v1, v4;
	_ =	sdelay $0x1  }
0x50: {  	v3 =	vadd.s32 v1, v3;
	_ =	sdelay $0x1  }
0x51: {  	s21 =	simm.s32 $0x5800  }
0x52: {  	[tilespmem:s21], [sflag:$0x1] =	stream.indirect_vreg.gather [hbm4b:s2+s3], $0x80, v4, vm0, $0xb8;
	[tilespmem:$0x1B800] =	vst v63  }
0x53: {  	s19 =	simm.s32 $0x6000  }
0x54: {  	[tilespmem:s19], [sflag:$0x1] =	stream.indirect_vreg.gather [hbm4b:s2+s3], $0x80, v3, vm0, $0xb8;
	[tilespmem:$0x1B800] =	vst v63  }
0x55: {  	v3 =	vld [tilespmem:$0x40];
	_ =	sdelay $0x4  }
0x56: {  	v43 =	vshll.u32 v3, $0x1  }
0x57: {  	v3 =	vand.u32 $0x7, v3;
	v4 =	vand.u32 $0xFFFFFFF0, v43  }
0x58: {  	v3 =	vor.u32 v3, v4  }
0x59: {  	v4 =	vperm.xlane v3, v0;
	_ =	sdelay $0x1  }
0x5a: {  	v3 =	vperm.xlane v3, v2;
	v4 =	vadd.s32 v1, v4;
	_ =	sdelay $0x1  }
0x5b: {  	v3 =	vadd.s32 v1, v3;
	_ =	sdelay $0x1  }
0x5c: {  	s20 =	simm.s32 $0x6800  }
0x5d: {  	[tilespmem:s20], [sflag:$0x1] =	stream.indirect_vreg.gather [hbm4b:s2+s3], $0x80, v4, vm0, $0xb8;
	[tilespmem:$0x1B800] =	vst v63  }
0x5e: {  	s21 =	simm.s32 $0x7000  }
0x5f: {  	[tilespmem:s21], [sflag:$0x1] =	stream.indirect_vreg.gather [hbm4b:s2+s3], $0x80, v3, vm0, $0xb8;
	[tilespmem:$0x1B800] =	vst v63  }
0x60: {  	v3 =	vld [tilespmem:$0x80];
	_ =	sdelay $0x4  }
0x61: {  	v44 =	vshll.u32 v3, $0x1  }
0x62: {  	v3 =	vand.u32 $0x7, v3;
	v4 =	vand.u32 $0xFFFFFFF0, v44  }
0x63: {  	v3 =	vor.u32 v3, v4  }
0x64: {  	v4 =	vperm.xlane v3, v0;
	_ =	sdelay $0x1  }
0x65: {  	v3 =	vperm.xlane v3, v2;
	v4 =	vadd.s32 v1, v4;
	_ =	sdelay $0x1  }
0x66: {  	v3 =	vadd.s32 v1, v3;
	_ =	sdelay $0x2  }
0x67: {  	[tilespmem:s18], [sflag:$0x2] =	stream.indirect_vreg.gather [hbm4b:s2+s3], $0x80, v4, vm0, $0xb8;
	[tilespmem:$0x1B800] =	vst v63  }
0x68: {  	s19 =	simm.s32 $0x8000  }
0x69: {  	[tilespmem:s19], [sflag:$0x2] =	stream.indirect_vreg.gather [hbm4b:s2+s3], $0x80, v3, vm0, $0xb8;
	[tilespmem:$0x1B800] =	vst v63  }
0x6a: {  	v3 =	vld [tilespmem:$0x90];
	_ =	sdelay $0x4  }
0x6b: {  	v45 =	vshll.u32 v3, $0x1  }
0x6c: {  	v3 =	vand.u32 $0x7, v3;
	v4 =	vand.u32 $0xFFFFFFF0, v45  }
0x6d: {  	v3 =	vor.u32 v3, v4  }
0x6e: {  	v4 =	vperm.xlane v3, v0;
	_ =	sdelay $0x1  }
0x6f: {  	v3 =	vperm.xlane v3, v2;
	v4 =	vadd.s32 v1, v4;
	_ =	sdelay $0x1  }
0x70: {  	v3 =	vadd.s32 v1, v3;
	_ =	sdelay $0x1  }
0x71: {  	s20 =	simm.s32 $0x8800  }
0x72: {  	[tilespmem:s20], [sflag:$0x2] =	stream.indirect_vreg.gather [hbm4b:s2+s3], $0x80, v4, vm0, $0xb8;
	[tilespmem:$0x1B800] =	vst v63  }
0x73: {  	s21 =	simm.s32 $0x9000  }
0x74: {  	[tilespmem:s21], [sflag:$0x2] =	stream.indirect_vreg.gather [hbm4b:s2+s3], $0x80, v3, vm0, $0xb8;
	[tilespmem:$0x1B800] =	vst v63  }
0x75: {  	v3 =	vld [tilespmem:$0xA0];
	_ =	sdelay $0x4  }
0x76: {  	v46 =	vshll.u32 v3, $0x1  }
0x77: {  	v3 =	vand.u32 $0x7, v3;
	v4 =	vand.u32 $0xFFFFFFF0, v46  }
0x78: {  	v3 =	vor.u32 v3, v4  }
0x79: {  	v4 =	vperm.xlane v3, v0;
	_ =	sdelay $0x1  }
0x7a: {  	v3 =	vperm.xlane v3, v2;
	v4 =	vadd.s32 v1, v4;
	_ =	sdelay $0x1  }
0x7b: {  	v3 =	vadd.s32 v1, v3;
	_ =	sdelay $0x1  }
0x7c: {  	s19 =	simm.s32 $0x9800  }
0x7d: {  	[tilespmem:s19], [sflag:$0x2] =	stream.indirect_vreg.gather [hbm4b:s2+s3], $0x80, v4, vm0, $0xb8;
	[tilespmem:$0x1B800] =	vst v63  }
0x7e: {  	s20 =	simm.s32 $0xA000  }
0x7f: {  	[tilespmem:s20], [sflag:$0x2] =	stream.indirect_vreg.gather [hbm4b:s2+s3], $0x80, v3, vm0, $0xb8;
	[tilespmem:$0x1B800] =	vst v63  }
0x80: {  	v3 =	vld [tilespmem:$0xB0];
	_ =	sdelay $0x4  }
0x81: {  	v47 =	vshll.u32 v3, $0x1  }
0x82: {  	v3 =	vand.u32 $0x7, v3;
	v4 =	vand.u32 $0xFFFFFFF0, v47  }
0x83: {  	v3 =	vor.u32 v3, v4  }
0x84: {  	v4 =	vperm.xlane v3, v0;
	_ =	sdelay $0x1  }
0x85: {  	v3 =	vperm.xlane v3, v2;
	v4 =	vadd.s32 v1, v4;
	_ =	sdelay $0x1  }
0x86: {  	v3 =	vadd.s32 v1, v3;
	_ =	sdelay $0x1  }
0x87: {  	s21 =	simm.s32 $0xA800  }
0x88: {  	[tilespmem:s21], [sflag:$0x2] =	stream.indirect_vreg.gather [hbm4b:s2+s3], $0x80, v4, vm0, $0xb8;
	[tilespmem:$0x1B800] =	vst v63  }
0x89: {  	s19 =	simm.s32 $0xB000  }
0x8a: {  	[tilespmem:s19], [sflag:$0x2] =	stream.indirect_vreg.gather [hbm4b:s2+s3], $0x80, v3, vm0, $0xb8;
	[tilespmem:$0x1B800] =	vst v63  }
0x8b: {  	v3 =	vld [tilespmem:$0xC0];
	_ =	sdelay $0x4  }
0x8c: {  	v48 =	vshll.u32 v3, $0x1  }
0x8d: {  	v3 =	vand.u32 $0x7, v3;
	v4 =	vand.u32 $0xFFFFFFF0, v48  }
0x8e: {  	v3 =	vor.u32 v3, v4  }
0x8f: {  	v4 =	vperm.xlane v3, v0;
	_ =	sdelay $0x1  }
0x90: {  	v3 =	vperm.xlane v3, v2;
	v4 =	vadd.s32 v1, v4;
	_ =	sdelay $0x1  }
0x91: {  	v3 =	vadd.s32 v1, v3;
	_ =	sdelay $0x1  }
0x92: {  	s20 =	simm.s32 $0xB800  }
0x93: {  	[tilespmem:s20], [sflag:$0x2] =	stream.indirect_vreg.gather [hbm4b:s2+s3], $0x80, v4, vm0, $0xb8;
	[tilespmem:$0x1B800] =	vst v63  }
0x94: {  	s21 =	simm.s32 $0xC000  }
0x95: {  	[tilespmem:s21], [sflag:$0x2] =	stream.indirect_vreg.gather [hbm4b:s2+s3], $0x80, v3, vm0, $0xb8;
	[tilespmem:$0x1B800] =	vst v63  }
0x96: {  	v3 =	vld [tilespmem:$0x100];
	_ =	sdelay $0x4  }
0x97: {  	v49 =	vshll.u32 v3, $0x1  }
0x98: {  	v3 =	vand.u32 $0x7, v3;
	v4 =	vand.u32 $0xFFFFFFF0, v49  }
0x99: {  	v3 =	vor.u32 v3, v4  }
0x9a: {  	v4 =	vperm.xlane v3, v0;
	_ =	sdelay $0x1  }
0x9b: {  	v3 =	vperm.xlane v3, v2;
	v4 =	vadd.s32 v1, v4;
	_ =	sdelay $0x1  }
0x9c: {  	v3 =	vadd.s32 v1, v3;
	_ =	sdelay $0x2  }
0x9d: {  	[tilespmem:s29], [sflag:$0x3] =	stream.indirect_vreg.gather [hbm4b:s2+s3], $0x80, v4, vm0, $0xb8;
	[tilespmem:$0x1B800] =	vst v63  }
0x9e: {  	s19 =	simm.s32 $0xD000  }
0x9f: {  	[tilespmem:s19], [sflag:$0x3] =	stream.indirect_vreg.gather [hbm4b:s2+s3], $0x80, v3, vm0, $0xb8;
	[tilespmem:$0x1B800] =	vst v63  }
0xa0: {  	v3 =	vld [tilespmem:$0x110];
	_ =	sdelay $0x4  }
0xa1: {  	v50 =	vshll.u32 v3, $0x1  }
0xa2: {  	v3 =	vand.u32 $0x7, v3;
	v4 =	vand.u32 $0xFFFFFFF0, v50  }
0xa3: {  	v3 =	vor.u32 v3, v4  }
0xa4: {  	v4 =	vperm.xlane v3, v0;
	_ =	sdelay $0x1  }
0xa5: {  	v3 =	vperm.xlane v3, v2;
	v4 =	vadd.s32 v1, v4;
	_ =	sdelay $0x1  }
0xa6: {  	v3 =	vadd.s32 v1, v3;
	_ =	sdelay $0x1  }
0xa7: {  	s20 =	simm.s32 $0xD800  }
0xa8: {  	[tilespmem:s20], [sflag:$0x3] =	stream.indirect_vreg.gather [hbm4b:s2+s3], $0x80, v4, vm0, $0xb8;
	[tilespmem:$0x1B800] =	vst v63  }
0xa9: {  	s21 =	simm.s32 $0xE000  }
0xaa: {  	[tilespmem:s21], [sflag:$0x3] =	stream.indirect_vreg.gather [hbm4b:s2+s3], $0x80, v3, vm0, $0xb8;
	[tilespmem:$0x1B800] =	vst v63  }
0xab: {  	v3 =	vld [tilespmem:$0x120];
	_ =	sdelay $0x4  }
0xac: {  	v51 =	vshll.u32 v3, $0x1  }
0xad: {  	v3 =	vand.u32 $0x7, v3;
	v4 =	vand.u32 $0xFFFFFFF0, v51  }
0xae: {  	v3 =	vor.u32 v3, v4  }
0xaf: {  	v4 =	vperm.xlane v3, v0;
	_ =	sdelay $0x1  }
0xb0: {  	v3 =	vperm.xlane v3, v2;
	v4 =	vadd.s32 v1, v4;
	_ =	sdelay $0x1  }
0xb1: {  	v3 =	vadd.s32 v1, v3;
	_ =	sdelay $0x1  }
0xb2: {  	s19 =	simm.s32 $0xE800  }
0xb3: {  	[tilespmem:s19], [sflag:$0x3] =	stream.indirect_vreg.gather [hbm4b:s2+s3], $0x80, v4, vm0, $0xb8;
	[tilespmem:$0x1B800] =	vst v63  }
0xb4: {  	s20 =	simm.s32 $0xF000  }
0xb5: {  	[tilespmem:s20], [sflag:$0x3] =	stream.indirect_vreg.gather [hbm4b:s2+s3], $0x80, v3, vm0, $0xb8;
	[tilespmem:$0x1B800] =	vst v63  }
0xb6: {  	v3 =	vld [tilespmem:$0x130];
	_ =	sdelay $0x4  }
0xb7: {  	v52 =	vshll.u32 v3, $0x1  }
0xb8: {  	v3 =	vand.u32 $0x7, v3;
	v4 =	vand.u32 $0xFFFFFFF0, v52  }
0xb9: {  	v3 =	vor.u32 v3, v4  }
0xba: {  	v4 =	vperm.xlane v3, v0;
	_ =	sdelay $0x1  }
0xbb: {  	v3 =	vperm.xlane v3, v2;
	v4 =	vadd.s32 v1, v4;
	_ =	sdelay $0x1  }
0xbc: {  	v3 =	vadd.s32 v1, v3;
	_ =	sdelay $0x1  }
0xbd: {  	s21 =	simm.s32 $0xF800  }
0xbe: {  	[tilespmem:s21], [sflag:$0x3] =	stream.indirect_vreg.gather [hbm4b:s2+s3], $0x80, v4, vm0, $0xb8;
	[tilespmem:$0x1B800] =	vst v63  }
0xbf: {  	s19 =	simm.s32 $0x10000  }
0xc0: {  	[tilespmem:s19], [sflag:$0x3] =	stream.indirect_vreg.gather [hbm4b:s2+s3], $0x80, v3, vm0, $0xb8;
	[tilespmem:$0x1B800] =	vst v63  }
0xc1: {  	v3 =	vld [tilespmem:$0x140];
	_ =	sdelay $0x4  }
0xc2: {  	v53 =	vshll.u32 v3, $0x1  }
0xc3: {  	v3 =	vand.u32 $0x7, v3;
	v4 =	vand.u32 $0xFFFFFFF0, v53  }
0xc4: {  	v3 =	vor.u32 v3, v4  }
0xc5: {  	v4 =	vperm.xlane v3, v0;
	_ =	sdelay $0x1  }
0xc6: {  	v3 =	vperm.xlane v3, v2;
	v4 =	vadd.s32 v1, v4;
	_ =	sdelay $0x1  }
0xc7: {  	v3 =	vadd.s32 v1, v3;
	_ =	sdelay $0x1  }
0xc8: {  	s20 =	simm.s32 $0x10800  }
0xc9: {  	[tilespmem:s20], [sflag:$0x3] =	stream.indirect_vreg.gather [hbm4b:s2+s3], $0x80, v4, vm0, $0xb8;
	[tilespmem:$0x1B800] =	vst v63  }
0xca: {  	s21 =	simm.s32 $0x11000  }
0xcb: {  	[tilespmem:s21], [sflag:$0x3] =	stream.indirect_vreg.gather [hbm4b:s2+s3], $0x80, v3, vm0, $0xb8;
	[tilespmem:$0x1B800] =	vst v63  }
0xcc: {  	v3 =	vld [tilespmem:$0x180];
	_ =	sdelay $0x4  }
0xcd: {  	v54 =	vshll.u32 v3, $0x1  }
0xce: {  	v3 =	vand.u32 $0x7, v3;
	v4 =	vand.u32 $0xFFFFFFF0, v54  }
0xcf: {  	v3 =	vor.u32 v3, v4  }
0xd0: {  	v4 =	vperm.xlane v3, v0;
	_ =	sdelay $0x1  }
0xd1: {  	v3 =	vperm.xlane v3, v2;
	v4 =	vadd.s32 v1, v4;
	_ =	sdelay $0x1  }
0xd2: {  	v3 =	vadd.s32 v1, v3;
	_ =	sdelay $0x2  }
0xd3: {  	[tilespmem:s11], [sflag:$0x4] =	stream.indirect_vreg.gather [hbm4b:s2+s3], $0x80, v4, vm0, $0xb8;
	[tilespmem:$0x1B800] =	vst v63  }
0xd4: {  	s19 =	simm.s32 $0x12000  }
0xd5: {  	[tilespmem:s19], [sflag:$0x4] =	stream.indirect_vreg.gather [hbm4b:s2+s3], $0x80, v3, vm0, $0xb8;
	[tilespmem:$0x1B800] =	vst v63  }
0xd6: {  	v3 =	vld [tilespmem:$0x190];
	_ =	sdelay $0x4  }
0xd7: {  	v55 =	vshll.u32 v3, $0x1  }
0xd8: {  	v3 =	vand.u32 $0x7, v3;
	v4 =	vand.u32 $0xFFFFFFF0, v55  }
0xd9: {  	v3 =	vor.u32 v3, v4  }
0xda: {  	v4 =	vperm.xlane v3, v0;
	_ =	sdelay $0x1  }
0xdb: {  	v3 =	vperm.xlane v3, v2;
	v4 =	vadd.s32 v1, v4;
	_ =	sdelay $0x1  }
0xdc: {  	v3 =	vadd.s32 v1, v3;
	_ =	sdelay $0x1  }
0xdd: {  	s20 =	simm.s32 $0x12800  }
0xde: {  	[tilespmem:s20], [sflag:$0x4] =	stream.indirect_vreg.gather [hbm4b:s2+s3], $0x80, v4, vm0, $0xb8;
	[tilespmem:$0x1B800] =	vst v63  }
0xdf: {  	s21 =	simm.s32 $0x13000  }
0xe0: {  	[tilespmem:s21], [sflag:$0x4] =	stream.indirect_vreg.gather [hbm4b:s2+s3], $0x80, v3, vm0, $0xb8;
	[tilespmem:$0x1B800] =	vst v63  }
0xe1: {  	v3 =	vld [tilespmem:$0x1A0];
	_ =	sdelay $0x4  }
0xe2: {  	v56 =	vshll.u32 v3, $0x1  }
0xe3: {  	v3 =	vand.u32 $0x7, v3;
	v4 =	vand.u32 $0xFFFFFFF0, v56  }
0xe4: {  	v3 =	vor.u32 v3, v4  }
0xe5: {  	v4 =	vperm.xlane v3, v0;
	_ =	sdelay $0x1  }
0xe6: {  	v3 =	vperm.xlane v3, v2;
	v4 =	vadd.s32 v1, v4;
	_ =	sdelay $0x1  }
0xe7: {  	v3 =	vadd.s32 v1, v3;
	_ =	sdelay $0x1  }
0xe8: {  	s19 =	simm.s32 $0x13800  }
0xe9: {  	[tilespmem:s19], [sflag:$0x4] =	stream.indirect_vreg.gather [hbm4b:s2+s3], $0x80, v4, vm0, $0xb8;
	[tilespmem:$0x1B800] =	vst v63  }
0xea: {  	s20 =	simm.s32 $0x14000  }
0xeb: {  	[tilespmem:s20], [sflag:$0x4] =	stream.indirect_vreg.gather [hbm4b:s2+s3], $0x80, v3, vm0, $0xb8;
	[tilespmem:$0x1B800] =	vst v63  }
0xec: {  	v3 =	vld [tilespmem:$0x1B0];
	_ =	sdelay $0x4  }
0xed: {  	v57 =	vshll.u32 v3, $0x1  }
0xee: {  	v3 =	vand.u32 $0x7, v3;
	v4 =	vand.u32 $0xFFFFFFF0, v57  }
0xef: {  	v3 =	vor.u32 v3, v4  }
0xf0: {  	v4 =	vperm.xlane v3, v0;
	_ =	sdelay $0x1  }
0xf1: {  	v3 =	vperm.xlane v3, v2;
	v4 =	vadd.s32 v1, v4;
	_ =	sdelay $0x1  }
0xf2: {  	v3 =	vadd.s32 v1, v3;
	_ =	sdelay $0x1  }
0xf3: {  	s21 =	simm.s32 $0x14800  }
0xf4: {  	[tilespmem:s21], [sflag:$0x4] =	stream.indirect_vreg.gather [hbm4b:s2+s3], $0x80, v4, vm0, $0xb8;
	[tilespmem:$0x1B800] =	vst v63  }
0xf5: {  	s19 =	simm.s32 $0x15000  }
0xf6: {  	[tilespmem:s19], [sflag:$0x4] =	stream.indirect_vreg.gather [hbm4b:s2+s3], $0x80, v3, vm0, $0xb8;
	[tilespmem:$0x1B800] =	vst v63  }
0xf7: {  	v3 =	vld [tilespmem:$0x1C0];
	_ =	sdelay $0x4  }
0xf8: {  	v58 =	vshll.u32 v3, $0x1  }
0xf9: {  	v3 =	vand.u32 $0x7, v3;
	v4 =	vand.u32 $0xFFFFFFF0, v58  }
0xfa: {  	v3 =	vor.u32 v3, v4  }
0xfb: {  	v4 =	vperm.xlane v3, v0;
	_ =	sdelay $0x1  }
0xfc: {  	v3 =	vperm.xlane v3, v2;
	v4 =	vadd.s32 v1, v4;
	_ =	sdelay $0x1  }
0xfd: {  	v3 =	vadd.s32 v1, v3;
	_ =	sdelay $0x1  }
0xfe: {  	s20 =	simm.s32 $0x15800  }
0xff: {  	[tilespmem:s20], [sflag:$0x4] =	stream.indirect_vreg.gather [hbm4b:s2+s3], $0x80, v4, vm0, $0xb8;
	[tilespmem:$0x1B800] =	vst v63  }
0x100: {  	s21 =	simm.s32 $0x16000  }
0x101: {  	[tilespmem:s21], [sflag:$0x4] =	stream.indirect_vreg.gather [hbm4b:s2+s3], $0x80, v3, vm0, $0xb8;
	[tilespmem:$0x1B800] =	vst v63  }
0x102: {  	v3 =	vld [tilespmem:$0x200];
	_ =	sdelay $0x4  }
0x103: {  	v59 =	vshll.u32 v3, $0x1  }
0x104: {  	v3 =	vand.u32 $0x7, v3;
	v4 =	vand.u32 $0xFFFFFFF0, v59  }
0x105: {  	v3 =	vor.u32 v3, v4  }
0x106: {  	v4 =	vperm.xlane v3, v0;
	_ =	sdelay $0x1  }
0x107: {  	v3 =	vperm.xlane v3, v2;
	v4 =	vadd.s32 v1, v4;
	_ =	sdelay $0x1  }
0x108: {  	v3 =	vadd.s32 v1, v3;
	_ =	sdelay $0x2  }
0x109: {  	[tilespmem:s22], [sflag:$0x5] =	stream.indirect_vreg.gather [hbm4b:s2+s3], $0x80, v4, vm0, $0xb8;
	[tilespmem:$0x1B800] =	vst v63  }
0x10a: {  	_ = 	snop  }
0x10b: {  	[tilespmem:s23], [sflag:$0x5] =	stream.indirect_vreg.gather [hbm4b:s2+s3], $0x80, v3, vm0, $0xb8;
	[tilespmem:$0x1B800] =	vst v63  }
0x10c: {  	v3 =	vld [tilespmem:$0x210];
	_ =	sdelay $0x4  }
0x10d: {  	v60 =	vshll.u32 v3, $0x1  }
0x10e: {  	v3 =	vand.u32 $0x7, v3;
	v4 =	vand.u32 $0xFFFFFFF0, v60  }
0x10f: {  	v3 =	vor.u32 v3, v4  }
0x110: {  	v4 =	vperm.xlane v3, v0;
	_ =	sdelay $0x1  }
0x111: {  	v3 =	vperm.xlane v3, v2;
	v4 =	vadd.s32 v1, v4;
	_ =	sdelay $0x1  }
0x112: {  	v3 =	vadd.s32 v1, v3;
	_ =	sdelay $0x2  }
0x113: {  	[tilespmem:s24], [sflag:$0x5] =	stream.indirect_vreg.gather [hbm4b:s2+s3], $0x80, v4, vm0, $0xb8;
	[tilespmem:$0x1B800] =	vst v63  }
0x114: {  	_ = 	snop  }
0x115: {  	[tilespmem:s25], [sflag:$0x5] =	stream.indirect_vreg.gather [hbm4b:s2+s3], $0x80, v3, vm0, $0xb8;
	[tilespmem:$0x1B800] =	vst v63  }
0x116: {  	v3 =	vld [tilespmem:$0x220];
	_ =	sdelay $0x4  }
0x117: {  	v61 =	vshll.u32 v3, $0x1  }
0x118: {  	v3 =	vand.u32 $0x7, v3;
	v4 =	vand.u32 $0xFFFFFFF0, v61  }
0x119: {  	v3 =	vor.u32 v3, v4  }
0x11a: {  	v4 =	vperm.xlane v3, v0;
	_ =	sdelay $0x1  }
0x11b: {  	v3 =	vperm.xlane v3, v2;
	v4 =	vadd.s32 v1, v4;
	_ =	sdelay $0x1  }
0x11c: {  	v3 =	vadd.s32 v1, v3;
	_ =	sdelay $0x2  }
0x11d: {  	[tilespmem:s26], [sflag:$0x5] =	stream.indirect_vreg.gather [hbm4b:s2+s3], $0x80, v4, vm0, $0xb8;
	[tilespmem:$0x1B800] =	vst v63  }
0x11e: {  	_ = 	snop  }
0x11f: {  	[tilespmem:s28], [sflag:$0x5] =	stream.indirect_vreg.gather [hbm4b:s2+s3], $0x80, v3, vm0, $0xb8;
	[tilespmem:$0x1B800] =	vst v63  }
0x120: {  	v3 =	vld [tilespmem:$0x230];
	_ =	sdelay $0x4  }
0x121: {  	v62 =	vshll.u32 v3, $0x1  }
0x122: {  	v3 =	vand.u32 $0x7, v3;
	v4 =	vand.u32 $0xFFFFFFF0, v62  }
0x123: {  	v3 =	vor.u32 v3, v4  }
0x124: {  	v4 =	vperm.xlane v3, v0;
	_ =	sdelay $0x1  }
0x125: {  	v3 =	vperm.xlane v3, v2;
	v4 =	vadd.s32 v1, v4;
	_ =	sdelay $0x1  }
0x126: {  	v3 =	vadd.s32 v1, v3;
	_ =	sdelay $0x2  }
0x127: {  	[tilespmem:s30], [sflag:$0x5] =	stream.indirect_vreg.gather [hbm4b:s2+s3], $0x80, v4, vm0, $0xb8;
	[tilespmem:$0x1B800] =	vst v63  }
0x128: {  	_ = 	snop  }
0x129: {  	[tilespmem:s31], [sflag:$0x5] =	stream.indirect_vreg.gather [hbm4b:s2+s3], $0x80, v3, vm0, $0xb8;
	[tilespmem:$0x1B800] =	vst v63  }
0x12a: {  	v3 =	vld [tilespmem:$0x240];
	_ =	sdelay $0x4  }
0x12b: {  	v63 =	vshll.u32 v3, $0x1  }
0x12c: {  	v3 =	vand.u32 $0x7, v3;
	v4 =	vand.u32 $0xFFFFFFF0, v63  }
0x12d: {  	v3 =	vor.u32 v3, v4  }
0x12e: {  	v4 =	vperm.xlane v3, v0;
	_ =	sdelay $0x1  }
0x12f: {  	v3 =	vperm.xlane v3, v2;
	v4 =	vadd.s32 v1, v4;
	_ =	sdelay $0x1  }
0x130: {  	v3 =	vadd.s32 v1, v3;
	_ =	sdelay $0x2  }
0x131: {  	[tilespmem:s1], [sflag:$0x5] =	stream.indirect_vreg.gather [hbm4b:s2+s3], $0x80, v4, vm0, $0xb8;
	[tilespmem:$0x1B800] =	vst v63  }
0x132: {  	s17 =	simm.s32 $0x4C0;
	s19 =	simm.s32 $0x0  }
0x133: {  	[tilespmem:s0], [sflag:$0x5] =	stream.indirect_vreg.gather [hbm4b:s2+s3], $0x80, v3, vm0, $0xb8;
	[tilespmem:$0x1B800] =	vst v63  }
.LBB2_2:
0x134: {  	_ =	swait.ge [sflag:s4], $0x5000  }
0x135: {  	[sflag:s4] =	ssyncset.done $0x0  }
0x136: {  	s20 =	sadd.s32 s19, s6;
	[sflag:s4] =	ssyncadd.s32 $0xFFFFB000  }
0x137: {  	[hbm4b:s20+s3] =	stream.linear.scatter [tilespmem:s8], [sflag:$0x6], $0x5000, $0x38;
	[tilespmem:$0x1B800] =	vst v63  }
0x138: {  	_ =	swait.ge [sflag:s5], $0x5000  }
0x139: {  	[sflag:s5] =	ssyncset.done $0x0  }
0x13a: {  	s21 =	sadd.s32 $0xA00, s20;
	[sflag:s5] =	ssyncadd.s32 $0xFFFFB000  }
0x13b: {  	[hbm4b:s21+s3] =	stream.linear.scatter [tilespmem:s18], [sflag:$0x7], $0x5000, $0x38;
	[tilespmem:$0x1B800] =	vst v63  }
0x13c: {  	_ =	swait.ge [sflag:s7], $0x5000  }
0x13d: {  	[sflag:s7] =	ssyncset.done $0x0  }
0x13e: {  	s21 =	sadd.s32 $0x1400, s20;
	[sflag:s7] =	ssyncadd.s32 $0xFFFFB000  }
0x13f: {  	[hbm4b:s21+s3] =	stream.linear.scatter [tilespmem:s29], [sflag:$0x8], $0x5000, $0x38;
	[tilespmem:$0x1B800] =	vst v63  }
0x140: {  	_ =	swait.ge [sflag:s9], $0x5000  }
0x141: {  	[sflag:s9] =	ssyncset.done $0x0  }
0x142: {  	s21 =	sadd.s32 $0x1E00, s20;
	[sflag:s9] =	ssyncadd.s32 $0xFFFFB000  }
0x143: {  	[hbm4b:s21+s3] =	stream.linear.scatter [tilespmem:s11], [sflag:$0x9], $0x5000, $0x38;
	[tilespmem:$0x1B800] =	vst v63  }
0x144: {  	_ =	swait.ge [sflag:s10], $0x5000  }
0x145: {  	p0 =	seq.s32 s19, $0x2EE00;
	[sflag:s10] =	ssyncset.done $0x0  }
.Ltmp2:
0x146: {  	s20 =	sadd.s32 $0x2800, s20;
	[sflag:s10] =	ssyncadd.s32 $0xFFFFB000;
	(pc) =	sbr.rel @p0 .LBB2_4-.Ltmp2, $4  }
0x147: {  	[hbm4b:s20+s3] =	stream.linear.scatter [tilespmem:s22], [sflag:$0xA], $0x5000, $0x38;
	[tilespmem:$0x1B800] =	vst v63  }
0x148: {  	_ =	swait.ge [sflag:s12], $0x5000  }
0x149: {  	[sflag:s12] =	ssyncset.done $0x0  }
0x14a: {  	[sflag:s12] =	ssyncadd.s32 $0xFFFFB000  }
0x14b: {  	v3 =	vld [tilespmem:s17+$0xFFFFFDC0];
	_ =	sdelay $0x4  }
0x14c: {  	v4 =	vshll.u32 v3, $0x1  }
0x14d: {  	v3 =	vand.u32 $0x7, v3;
	v4 =	vand.u32 $0xFFFFFFF0, v4  }
0x14e: {  	v3 =	vor.u32 v3, v4  }
0x14f: {  	v4 =	vperm.xlane v3, v0;
	_ =	sdelay $0x1  }
0x150: {  	v3 =	vperm.xlane v3, v2;
	v4 =	vadd.s32 v1, v4;
	_ =	sdelay $0x1  }
0x151: {  	v3 =	vadd.s32 v1, v3;
	_ =	sdelay $0x2  }
0x152: {  	[tilespmem:s8], [sflag:$0x1] =	stream.indirect_vreg.gather [hbm4b:s2+s3], $0x80, v4, vm0, $0xb8;
	[tilespmem:$0x1B800] =	vst v63  }
0x153: {  	s20 =	simm.s32 $0x3000  }
0x154: {  	[tilespmem:s20], [sflag:$0x1] =	stream.indirect_vreg.gather [hbm4b:s2+s3], $0x80, v3, vm0, $0xb8;
	[tilespmem:$0x1B800] =	vst v63  }
0x155: {  	v3 =	vld [tilespmem:s17+$0xFFFFFDD0];
	_ =	sdelay $0x4  }
0x156: {  	v40 =	vshll.u32 v3, $0x1  }
0x157: {  	v3 =	vand.u32 $0x7, v3;
	v4 =	vand.u32 $0xFFFFFFF0, v40  }
0x158: {  	v3 =	vor.u32 v3, v4  }
0x159: {  	v4 =	vperm.xlane v3, v0;
	_ =	sdelay $0x1  }
0x15a: {  	v3 =	vperm.xlane v3, v2;
	v4 =	vadd.s32 v1, v4;
	_ =	sdelay $0x1  }
0x15b: {  	v3 =	vadd.s32 v1, v3;
	_ =	sdelay $0x1  }
0x15c: {  	s21 =	simm.s32 $0x3800  }
0x15d: {  	[tilespmem:s21], [sflag:$0x1] =	stream.indirect_vreg.gather [hbm4b:s2+s3], $0x80, v4, vm0, $0xb8;
	[tilespmem:$0x1B800] =	vst v63  }
0x15e: {  	s21 =	simm.s32 $0x4000  }
0x15f: {  	[tilespmem:s21], [sflag:$0x1] =	stream.indirect_vreg.gather [hbm4b:s2+s3], $0x80, v3, vm0, $0xb8;
	[tilespmem:$0x1B800] =	vst v63  }
0x160: {  	v3 =	vld [tilespmem:s17+$0xFFFFFDE0];
	_ =	sdelay $0x4  }
0x161: {  	v41 =	vshll.u32 v3, $0x1  }
0x162: {  	v3 =	vand.u32 $0x7, v3;
	v4 =	vand.u32 $0xFFFFFFF0, v41  }
0x163: {  	v3 =	vor.u32 v3, v4  }
0x164: {  	v4 =	vperm.xlane v3, v0;
	_ =	sdelay $0x1  }
0x165: {  	v3 =	vperm.xlane v3, v2;
	v4 =	vadd.s32 v1, v4;
	_ =	sdelay $0x1  }
0x166: {  	v3 =	vadd.s32 v1, v3;
	_ =	sdelay $0x1  }
0x167: {  	s21 =	simm.s32 $0x4800  }
0x168: {  	[tilespmem:s21], [sflag:$0x1] =	stream.indirect_vreg.gather [hbm4b:s2+s3], $0x80, v4, vm0, $0xb8;
	[tilespmem:$0x1B800] =	vst v63  }
0x169: {  	s21 =	simm.s32 $0x5000  }
0x16a: {  	[tilespmem:s21], [sflag:$0x1] =	stream.indirect_vreg.gather [hbm4b:s2+s3], $0x80, v3, vm0, $0xb8;
	[tilespmem:$0x1B800] =	vst v63  }
0x16b: {  	v3 =	vld [tilespmem:s17+$0xFFFFFDF0];
	_ =	sdelay $0x4  }
0x16c: {  	v42 =	vshll.u32 v3, $0x1  }
0x16d: {  	v3 =	vand.u32 $0x7, v3;
	v4 =	vand.u32 $0xFFFFFFF0, v42  }
0x16e: {  	v3 =	vor.u32 v3, v4  }
0x16f: {  	v4 =	vperm.xlane v3, v0;
	_ =	sdelay $0x1  }
0x170: {  	v3 =	vperm.xlane v3, v2;
	v4 =	vadd.s32 v1, v4;
	_ =	sdelay $0x1  }
0x171: {  	v3 =	vadd.s32 v1, v3;
	_ =	sdelay $0x1  }
0x172: {  	s21 =	simm.s32 $0x5800  }
0x173: {  	[tilespmem:s21], [sflag:$0x1] =	stream.indirect_vreg.gather [hbm4b:s2+s3], $0x80, v4, vm0, $0xb8;
	[tilespmem:$0x1B800] =	vst v63  }
0x174: {  	s21 =	simm.s32 $0x6000  }
0x175: {  	[tilespmem:s21], [sflag:$0x1] =	stream.indirect_vreg.gather [hbm4b:s2+s3], $0x80, v3, vm0, $0xb8;
	[tilespmem:$0x1B800] =	vst v63  }
0x176: {  	v3 =	vld [tilespmem:s17+$0xFFFFFE00];
	_ =	sdelay $0x4  }
0x177: {  	v43 =	vshll.u32 v3, $0x1  }
0x178: {  	v3 =	vand.u32 $0x7, v3;
	v4 =	vand.u32 $0xFFFFFFF0, v43  }
0x179: {  	v3 =	vor.u32 v3, v4  }
0x17a: {  	v4 =	vperm.xlane v3, v0;
	_ =	sdelay $0x1  }
0x17b: {  	v3 =	vperm.xlane v3, v2;
	v4 =	vadd.s32 v1, v4;
	_ =	sdelay $0x1  }
0x17c: {  	v3 =	vadd.s32 v1, v3;
	_ =	sdelay $0x1  }
0x17d: {  	s21 =	simm.s32 $0x6800  }
0x17e: {  	[tilespmem:s21], [sflag:$0x1] =	stream.indirect_vreg.gather [hbm4b:s2+s3], $0x80, v4, vm0, $0xb8;
	[tilespmem:$0x1B800] =	vst v63  }
0x17f: {  	s21 =	simm.s32 $0x7000  }
0x180: {  	[tilespmem:s21], [sflag:$0x1] =	stream.indirect_vreg.gather [hbm4b:s2+s3], $0x80, v3, vm0, $0xb8;
	[tilespmem:$0x1B800] =	vst v63  }
0x181: {  	_ =	swait.ge [sflag:s13], $0x5000  }
0x182: {  	[sflag:s13] =	ssyncset.done $0x0  }
0x183: {  	[sflag:s13] =	ssyncadd.s32 $0xFFFFB000  }
0x184: {  	v3 =	vld [tilespmem:s17+$0xFFFFFE40];
	_ =	sdelay $0x4  }
0x185: {  	v44 =	vshll.u32 v3, $0x1  }
0x186: {  	v3 =	vand.u32 $0x7, v3;
	v4 =	vand.u32 $0xFFFFFFF0, v44  }
0x187: {  	v3 =	vor.u32 v3, v4  }
0x188: {  	v4 =	vperm.xlane v3, v0;
	_ =	sdelay $0x1  }
0x189: {  	v3 =	vperm.xlane v3, v2;
	v4 =	vadd.s32 v1, v4;
	_ =	sdelay $0x1  }
0x18a: {  	v3 =	vadd.s32 v1, v3;
	_ =	sdelay $0x2  }
0x18b: {  	[tilespmem:s18], [sflag:$0x2] =	stream.indirect_vreg.gather [hbm4b:s2+s3], $0x80, v4, vm0, $0xb8;
	[tilespmem:$0x1B800] =	vst v63  }
0x18c: {  	s21 =	simm.s32 $0x8000  }
0x18d: {  	[tilespmem:s21], [sflag:$0x2] =	stream.indirect_vreg.gather [hbm4b:s2+s3], $0x80, v3, vm0, $0xb8;
	[tilespmem:$0x1B800] =	vst v63  }
0x18e: {  	v3 =	vld [tilespmem:s17+$0xFFFFFE50];
	_ =	sdelay $0x4  }
0x18f: {  	v45 =	vshll.u32 v3, $0x1  }
0x190: {  	v3 =	vand.u32 $0x7, v3;
	v4 =	vand.u32 $0xFFFFFFF0, v45  }
0x191: {  	v3 =	vor.u32 v3, v4  }
0x192: {  	v4 =	vperm.xlane v3, v0;
	_ =	sdelay $0x1  }
0x193: {  	v3 =	vperm.xlane v3, v2;
	v4 =	vadd.s32 v1, v4;
	_ =	sdelay $0x1  }
0x194: {  	v3 =	vadd.s32 v1, v3;
	_ =	sdelay $0x1  }
0x195: {  	s21 =	simm.s32 $0x8800  }
0x196: {  	[tilespmem:s21], [sflag:$0x2] =	stream.indirect_vreg.gather [hbm4b:s2+s3], $0x80, v4, vm0, $0xb8;
	[tilespmem:$0x1B800] =	vst v63  }
0x197: {  	s21 =	simm.s32 $0x9000  }
0x198: {  	[tilespmem:s21], [sflag:$0x2] =	stream.indirect_vreg.gather [hbm4b:s2+s3], $0x80, v3, vm0, $0xb8;
	[tilespmem:$0x1B800] =	vst v63  }
0x199: {  	v3 =	vld [tilespmem:s17+$0xFFFFFE60];
	_ =	sdelay $0x4  }
0x19a: {  	v46 =	vshll.u32 v3, $0x1  }
0x19b: {  	v3 =	vand.u32 $0x7, v3;
	v4 =	vand.u32 $0xFFFFFFF0, v46  }
0x19c: {  	v3 =	vor.u32 v3, v4  }
0x19d: {  	v4 =	vperm.xlane v3, v0;
	_ =	sdelay $0x1  }
0x19e: {  	v3 =	vperm.xlane v3, v2;
	v4 =	vadd.s32 v1, v4;
	_ =	sdelay $0x1  }
0x19f: {  	v3 =	vadd.s32 v1, v3;
	_ =	sdelay $0x1  }
0x1a0: {  	s21 =	simm.s32 $0x9800  }
0x1a1: {  	[tilespmem:s21], [sflag:$0x2] =	stream.indirect_vreg.gather [hbm4b:s2+s3], $0x80, v4, vm0, $0xb8;
	[tilespmem:$0x1B800] =	vst v63  }
0x1a2: {  	s21 =	simm.s32 $0xA000  }
0x1a3: {  	[tilespmem:s21], [sflag:$0x2] =	stream.indirect_vreg.gather [hbm4b:s2+s3], $0x80, v3, vm0, $0xb8;
	[tilespmem:$0x1B800] =	vst v63  }
0x1a4: {  	v3 =	vld [tilespmem:s17+$0xFFFFFE70];
	_ =	sdelay $0x4  }
0x1a5: {  	v47 =	vshll.u32 v3, $0x1  }
0x1a6: {  	v3 =	vand.u32 $0x7, v3;
	v4 =	vand.u32 $0xFFFFFFF0, v47  }
0x1a7: {  	v3 =	vor.u32 v3, v4  }
0x1a8: {  	v4 =	vperm.xlane v3, v0;
	_ =	sdelay $0x1  }
0x1a9: {  	v3 =	vperm.xlane v3, v2;
	v4 =	vadd.s32 v1, v4;
	_ =	sdelay $0x1  }
0x1aa: {  	v3 =	vadd.s32 v1, v3;
	_ =	sdelay $0x1  }
0x1ab: {  	s21 =	simm.s32 $0xA800  }
0x1ac: {  	[tilespmem:s21], [sflag:$0x2] =	stream.indirect_vreg.gather [hbm4b:s2+s3], $0x80, v4, vm0, $0xb8;
	[tilespmem:$0x1B800] =	vst v63  }
0x1ad: {  	s21 =	simm.s32 $0xB000  }
0x1ae: {  	[tilespmem:s21], [sflag:$0x2] =	stream.indirect_vreg.gather [hbm4b:s2+s3], $0x80, v3, vm0, $0xb8;
	[tilespmem:$0x1B800] =	vst v63  }
0x1af: {  	v3 =	vld [tilespmem:s17+$0xFFFFFE80];
	_ =	sdelay $0x4  }
0x1b0: {  	v48 =	vshll.u32 v3, $0x1  }
0x1b1: {  	v3 =	vand.u32 $0x7, v3;
	v4 =	vand.u32 $0xFFFFFFF0, v48  }
0x1b2: {  	v3 =	vor.u32 v3, v4  }
0x1b3: {  	v4 =	vperm.xlane v3, v0;
	_ =	sdelay $0x1  }
0x1b4: {  	v3 =	vperm.xlane v3, v2;
	v4 =	vadd.s32 v1, v4;
	_ =	sdelay $0x1  }
0x1b5: {  	v3 =	vadd.s32 v1, v3;
	_ =	sdelay $0x1  }
0x1b6: {  	s21 =	simm.s32 $0xB800  }
0x1b7: {  	[tilespmem:s21], [sflag:$0x2] =	stream.indirect_vreg.gather [hbm4b:s2+s3], $0x80, v4, vm0, $0xb8;
	[tilespmem:$0x1B800] =	vst v63  }
0x1b8: {  	s21 =	simm.s32 $0xC000  }
0x1b9: {  	[tilespmem:s21], [sflag:$0x2] =	stream.indirect_vreg.gather [hbm4b:s2+s3], $0x80, v3, vm0, $0xb8;
	[tilespmem:$0x1B800] =	vst v63  }
0x1ba: {  	_ =	swait.ge [sflag:s14], $0x5000  }
0x1bb: {  	[sflag:s14] =	ssyncset.done $0x0  }
0x1bc: {  	[sflag:s14] =	ssyncadd.s32 $0xFFFFB000  }
0x1bd: {  	v3 =	vld [tilespmem:s17+$0xFFFFFEC0];
	_ =	sdelay $0x4  }
0x1be: {  	v49 =	vshll.u32 v3, $0x1  }
0x1bf: {  	v3 =	vand.u32 $0x7, v3;
	v4 =	vand.u32 $0xFFFFFFF0, v49  }
0x1c0: {  	v3 =	vor.u32 v3, v4  }
0x1c1: {  	v4 =	vperm.xlane v3, v0;
	_ =	sdelay $0x1  }
0x1c2: {  	v3 =	vperm.xlane v3, v2;
	v4 =	vadd.s32 v1, v4;
	_ =	sdelay $0x1  }
0x1c3: {  	v3 =	vadd.s32 v1, v3;
	_ =	sdelay $0x2  }
0x1c4: {  	[tilespmem:s29], [sflag:$0x3] =	stream.indirect_vreg.gather [hbm4b:s2+s3], $0x80, v4, vm0, $0xb8;
	[tilespmem:$0x1B800] =	vst v63  }
0x1c5: {  	s21 =	simm.s32 $0xD000  }
0x1c6: {  	[tilespmem:s21], [sflag:$0x3] =	stream.indirect_vreg.gather [hbm4b:s2+s3], $0x80, v3, vm0, $0xb8;
	[tilespmem:$0x1B800] =	vst v63  }
0x1c7: {  	v3 =	vld [tilespmem:s17+$0xFFFFFED0];
	_ =	sdelay $0x4  }
0x1c8: {  	v50 =	vshll.u32 v3, $0x1  }
0x1c9: {  	v3 =	vand.u32 $0x7, v3;
	v4 =	vand.u32 $0xFFFFFFF0, v50  }
0x1ca: {  	v3 =	vor.u32 v3, v4  }
0x1cb: {  	v4 =	vperm.xlane v3, v0;
	_ =	sdelay $0x1  }
0x1cc: {  	v3 =	vperm.xlane v3, v2;
	v4 =	vadd.s32 v1, v4;
	_ =	sdelay $0x1  }
0x1cd: {  	v3 =	vadd.s32 v1, v3;
	_ =	sdelay $0x1  }
0x1ce: {  	s21 =	simm.s32 $0xD800  }
0x1cf: {  	[tilespmem:s21], [sflag:$0x3] =	stream.indirect_vreg.gather [hbm4b:s2+s3], $0x80, v4, vm0, $0xb8;
	[tilespmem:$0x1B800] =	vst v63  }
0x1d0: {  	s21 =	simm.s32 $0xE000  }
0x1d1: {  	[tilespmem:s21], [sflag:$0x3] =	stream.indirect_vreg.gather [hbm4b:s2+s3], $0x80, v3, vm0, $0xb8;
	[tilespmem:$0x1B800] =	vst v63  }
0x1d2: {  	v3 =	vld [tilespmem:s17+$0xFFFFFEE0];
	_ =	sdelay $0x4  }
0x1d3: {  	v51 =	vshll.u32 v3, $0x1  }
0x1d4: {  	v3 =	vand.u32 $0x7, v3;
	v4 =	vand.u32 $0xFFFFFFF0, v51  }
0x1d5: {  	v3 =	vor.u32 v3, v4  }
0x1d6: {  	v4 =	vperm.xlane v3, v0;
	_ =	sdelay $0x1  }
0x1d7: {  	v3 =	vperm.xlane v3, v2;
	v4 =	vadd.s32 v1, v4;
	_ =	sdelay $0x1  }
0x1d8: {  	v3 =	vadd.s32 v1, v3;
	_ =	sdelay $0x1  }
0x1d9: {  	s21 =	simm.s32 $0xE800  }
0x1da: {  	[tilespmem:s21], [sflag:$0x3] =	stream.indirect_vreg.gather [hbm4b:s2+s3], $0x80, v4, vm0, $0xb8;
	[tilespmem:$0x1B800] =	vst v63  }
0x1db: {  	s21 =	simm.s32 $0xF000  }
0x1dc: {  	[tilespmem:s21], [sflag:$0x3] =	stream.indirect_vreg.gather [hbm4b:s2+s3], $0x80, v3, vm0, $0xb8;
	[tilespmem:$0x1B800] =	vst v63  }
0x1dd: {  	v3 =	vld [tilespmem:s17+$0xFFFFFEF0];
	_ =	sdelay $0x4  }
0x1de: {  	v52 =	vshll.u32 v3, $0x1  }
0x1df: {  	v3 =	vand.u32 $0x7, v3;
	v4 =	vand.u32 $0xFFFFFFF0, v52  }
0x1e0: {  	v3 =	vor.u32 v3, v4  }
0x1e1: {  	v4 =	vperm.xlane v3, v0;
	_ =	sdelay $0x1  }
0x1e2: {  	v3 =	vperm.xlane v3, v2;
	v4 =	vadd.s32 v1, v4;
	_ =	sdelay $0x1  }
0x1e3: {  	v3 =	vadd.s32 v1, v3;
	_ =	sdelay $0x1  }
0x1e4: {  	s21 =	simm.s32 $0xF800  }
0x1e5: {  	[tilespmem:s21], [sflag:$0x3] =	stream.indirect_vreg.gather [hbm4b:s2+s3], $0x80, v4, vm0, $0xb8;
	[tilespmem:$0x1B800] =	vst v63  }
0x1e6: {  	s21 =	simm.s32 $0x10000  }
0x1e7: {  	[tilespmem:s21], [sflag:$0x3] =	stream.indirect_vreg.gather [hbm4b:s2+s3], $0x80, v3, vm0, $0xb8;
	[tilespmem:$0x1B800] =	vst v63  }
0x1e8: {  	v3 =	vld [tilespmem:s17+$0xFFFFFF00];
	_ =	sdelay $0x4  }
0x1e9: {  	v53 =	vshll.u32 v3, $0x1  }
0x1ea: {  	v3 =	vand.u32 $0x7, v3;
	v4 =	vand.u32 $0xFFFFFFF0, v53  }
0x1eb: {  	v3 =	vor.u32 v3, v4  }
0x1ec: {  	v4 =	vperm.xlane v3, v0;
	_ =	sdelay $0x1  }
0x1ed: {  	v3 =	vperm.xlane v3, v2;
	v4 =	vadd.s32 v1, v4;
	_ =	sdelay $0x1  }
0x1ee: {  	v3 =	vadd.s32 v1, v3;
	_ =	sdelay $0x1  }
0x1ef: {  	s21 =	simm.s32 $0x10800  }
0x1f0: {  	[tilespmem:s21], [sflag:$0x3] =	stream.indirect_vreg.gather [hbm4b:s2+s3], $0x80, v4, vm0, $0xb8;
	[tilespmem:$0x1B800] =	vst v63  }
0x1f1: {  	s21 =	simm.s32 $0x11000  }
0x1f2: {  	[tilespmem:s21], [sflag:$0x3] =	stream.indirect_vreg.gather [hbm4b:s2+s3], $0x80, v3, vm0, $0xb8;
	[tilespmem:$0x1B800] =	vst v63  }
0x1f3: {  	_ =	swait.ge [sflag:s15], $0x5000  }
0x1f4: {  	[sflag:s15] =	ssyncset.done $0x0  }
0x1f5: {  	[sflag:s15] =	ssyncadd.s32 $0xFFFFB000  }
0x1f6: {  	v3 =	vld [tilespmem:s17+$0xFFFFFF40];
	_ =	sdelay $0x4  }
0x1f7: {  	v54 =	vshll.u32 v3, $0x1  }
0x1f8: {  	v3 =	vand.u32 $0x7, v3;
	v4 =	vand.u32 $0xFFFFFFF0, v54  }
0x1f9: {  	v3 =	vor.u32 v3, v4  }
0x1fa: {  	v4 =	vperm.xlane v3, v0;
	_ =	sdelay $0x1  }
0x1fb: {  	v3 =	vperm.xlane v3, v2;
	v4 =	vadd.s32 v1, v4;
	_ =	sdelay $0x1  }
0x1fc: {  	v3 =	vadd.s32 v1, v3;
	_ =	sdelay $0x2  }
0x1fd: {  	[tilespmem:s11], [sflag:$0x4] =	stream.indirect_vreg.gather [hbm4b:s2+s3], $0x80, v4, vm0, $0xb8;
	[tilespmem:$0x1B800] =	vst v63  }
0x1fe: {  	s21 =	simm.s32 $0x12000  }
0x1ff: {  	[tilespmem:s21], [sflag:$0x4] =	stream.indirect_vreg.gather [hbm4b:s2+s3], $0x80, v3, vm0, $0xb8;
	[tilespmem:$0x1B800] =	vst v63  }
0x200: {  	v3 =	vld [tilespmem:s17+$0xFFFFFF50];
	_ =	sdelay $0x4  }
0x201: {  	v55 =	vshll.u32 v3, $0x1  }
0x202: {  	v3 =	vand.u32 $0x7, v3;
	v4 =	vand.u32 $0xFFFFFFF0, v55  }
0x203: {  	v3 =	vor.u32 v3, v4  }
0x204: {  	v4 =	vperm.xlane v3, v0;
	_ =	sdelay $0x1  }
0x205: {  	v3 =	vperm.xlane v3, v2;
	v4 =	vadd.s32 v1, v4;
	_ =	sdelay $0x1  }
0x206: {  	v3 =	vadd.s32 v1, v3;
	_ =	sdelay $0x1  }
0x207: {  	s21 =	simm.s32 $0x12800  }
0x208: {  	[tilespmem:s21], [sflag:$0x4] =	stream.indirect_vreg.gather [hbm4b:s2+s3], $0x80, v4, vm0, $0xb8;
	[tilespmem:$0x1B800] =	vst v63  }
0x209: {  	s21 =	simm.s32 $0x13000  }
0x20a: {  	[tilespmem:s21], [sflag:$0x4] =	stream.indirect_vreg.gather [hbm4b:s2+s3], $0x80, v3, vm0, $0xb8;
	[tilespmem:$0x1B800] =	vst v63  }
0x20b: {  	v3 =	vld [tilespmem:s17+$0xFFFFFF60];
	_ =	sdelay $0x4  }
0x20c: {  	v56 =	vshll.u32 v3, $0x1  }
0x20d: {  	v3 =	vand.u32 $0x7, v3;
	v4 =	vand.u32 $0xFFFFFFF0, v56  }
0x20e: {  	v3 =	vor.u32 v3, v4  }
0x20f: {  	v4 =	vperm.xlane v3, v0;
	_ =	sdelay $0x1  }
0x210: {  	v3 =	vperm.xlane v3, v2;
	v4 =	vadd.s32 v1, v4;
	_ =	sdelay $0x1  }
0x211: {  	v3 =	vadd.s32 v1, v3;
	_ =	sdelay $0x1  }
0x212: {  	s21 =	simm.s32 $0x13800  }
0x213: {  	[tilespmem:s21], [sflag:$0x4] =	stream.indirect_vreg.gather [hbm4b:s2+s3], $0x80, v4, vm0, $0xb8;
	[tilespmem:$0x1B800] =	vst v63  }
0x214: {  	s21 =	simm.s32 $0x14000  }
0x215: {  	[tilespmem:s21], [sflag:$0x4] =	stream.indirect_vreg.gather [hbm4b:s2+s3], $0x80, v3, vm0, $0xb8;
	[tilespmem:$0x1B800] =	vst v63  }
0x216: {  	v3 =	vld [tilespmem:s17+$0xFFFFFF70];
	_ =	sdelay $0x4  }
0x217: {  	v57 =	vshll.u32 v3, $0x1  }
0x218: {  	v3 =	vand.u32 $0x7, v3;
	v4 =	vand.u32 $0xFFFFFFF0, v57  }
0x219: {  	v3 =	vor.u32 v3, v4  }
0x21a: {  	v4 =	vperm.xlane v3, v0;
	_ =	sdelay $0x1  }
0x21b: {  	v3 =	vperm.xlane v3, v2;
	v4 =	vadd.s32 v1, v4;
	_ =	sdelay $0x1  }
0x21c: {  	v3 =	vadd.s32 v1, v3;
	_ =	sdelay $0x1  }
0x21d: {  	s21 =	simm.s32 $0x14800  }
0x21e: {  	[tilespmem:s21], [sflag:$0x4] =	stream.indirect_vreg.gather [hbm4b:s2+s3], $0x80, v4, vm0, $0xb8;
	[tilespmem:$0x1B800] =	vst v63  }
0x21f: {  	s21 =	simm.s32 $0x15000  }
0x220: {  	[tilespmem:s21], [sflag:$0x4] =	stream.indirect_vreg.gather [hbm4b:s2+s3], $0x80, v3, vm0, $0xb8;
	[tilespmem:$0x1B800] =	vst v63  }
0x221: {  	v3 =	vld [tilespmem:s17+$0xFFFFFF80];
	_ =	sdelay $0x4  }
0x222: {  	v58 =	vshll.u32 v3, $0x1  }
0x223: {  	v3 =	vand.u32 $0x7, v3;
	v4 =	vand.u32 $0xFFFFFFF0, v58  }
0x224: {  	v3 =	vor.u32 v3, v4  }
0x225: {  	v4 =	vperm.xlane v3, v0;
	_ =	sdelay $0x1  }
0x226: {  	v3 =	vperm.xlane v3, v2;
	v4 =	vadd.s32 v1, v4;
	_ =	sdelay $0x1  }
0x227: {  	v3 =	vadd.s32 v1, v3;
	_ =	sdelay $0x1  }
0x228: {  	s21 =	simm.s32 $0x15800  }
0x229: {  	[tilespmem:s21], [sflag:$0x4] =	stream.indirect_vreg.gather [hbm4b:s2+s3], $0x80, v4, vm0, $0xb8;
	[tilespmem:$0x1B800] =	vst v63  }
0x22a: {  	s21 =	simm.s32 $0x16000  }
0x22b: {  	[tilespmem:s21], [sflag:$0x4] =	stream.indirect_vreg.gather [hbm4b:s2+s3], $0x80, v3, vm0, $0xb8;
	[tilespmem:$0x1B800] =	vst v63  }
0x22c: {  	_ =	swait.ge [sflag:s16], $0x5000  }
0x22d: {  	[sflag:s16] =	ssyncset.done $0x0  }
0x22e: {  	[sflag:s16] =	ssyncadd.s32 $0xFFFFB000  }
0x22f: {  	v3 =	vld [tilespmem:s17+$0xFFFFFFC0];
	_ =	sdelay $0x4  }
0x230: {  	v59 =	vshll.u32 v3, $0x1  }
0x231: {  	v3 =	vand.u32 $0x7, v3;
	v4 =	vand.u32 $0xFFFFFFF0, v59  }
0x232: {  	v3 =	vor.u32 v3, v4  }
0x233: {  	v4 =	vperm.xlane v3, v0;
	_ =	sdelay $0x1  }
0x234: {  	v3 =	vperm.xlane v3, v2;
	v4 =	vadd.s32 v1, v4;
	_ =	sdelay $0x1  }
0x235: {  	v3 =	vadd.s32 v1, v3;
	_ =	sdelay $0x2  }
0x236: {  	[tilespmem:s22], [sflag:$0x5] =	stream.indirect_vreg.gather [hbm4b:s2+s3], $0x80, v4, vm0, $0xb8;
	[tilespmem:$0x1B800] =	vst v63  }
0x237: {  	_ = 	snop  }
0x238: {  	[tilespmem:s23], [sflag:$0x5] =	stream.indirect_vreg.gather [hbm4b:s2+s3], $0x80, v3, vm0, $0xb8;
	[tilespmem:$0x1B800] =	vst v63  }
0x239: {  	v3 =	vld [tilespmem:s17+$0xFFFFFFD0];
	_ =	sdelay $0x4  }
0x23a: {  	v60 =	vshll.u32 v3, $0x1  }
0x23b: {  	v3 =	vand.u32 $0x7, v3;
	v4 =	vand.u32 $0xFFFFFFF0, v60  }
0x23c: {  	v3 =	vor.u32 v3, v4  }
0x23d: {  	v4 =	vperm.xlane v3, v0;
	_ =	sdelay $0x1  }
0x23e: {  	v3 =	vperm.xlane v3, v2;
	v4 =	vadd.s32 v1, v4;
	_ =	sdelay $0x1  }
0x23f: {  	v3 =	vadd.s32 v1, v3;
	_ =	sdelay $0x2  }
0x240: {  	[tilespmem:s24], [sflag:$0x5] =	stream.indirect_vreg.gather [hbm4b:s2+s3], $0x80, v4, vm0, $0xb8;
	[tilespmem:$0x1B800] =	vst v63  }
0x241: {  	_ = 	snop  }
0x242: {  	[tilespmem:s25], [sflag:$0x5] =	stream.indirect_vreg.gather [hbm4b:s2+s3], $0x80, v3, vm0, $0xb8;
	[tilespmem:$0x1B800] =	vst v63  }
0x243: {  	v3 =	vld [tilespmem:s17+$0xFFFFFFE0];
	_ =	sdelay $0x4  }
0x244: {  	v61 =	vshll.u32 v3, $0x1  }
0x245: {  	v3 =	vand.u32 $0x7, v3;
	v4 =	vand.u32 $0xFFFFFFF0, v61  }
0x246: {  	v3 =	vor.u32 v3, v4  }
0x247: {  	v4 =	vperm.xlane v3, v0;
	_ =	sdelay $0x1  }
0x248: {  	v3 =	vperm.xlane v3, v2;
	v4 =	vadd.s32 v1, v4;
	_ =	sdelay $0x1  }
0x249: {  	v3 =	vadd.s32 v1, v3;
	_ =	sdelay $0x2  }
0x24a: {  	[tilespmem:s26], [sflag:$0x5] =	stream.indirect_vreg.gather [hbm4b:s2+s3], $0x80, v4, vm0, $0xb8;
	[tilespmem:$0x1B800] =	vst v63  }
0x24b: {  	_ = 	snop  }
0x24c: {  	[tilespmem:s28], [sflag:$0x5] =	stream.indirect_vreg.gather [hbm4b:s2+s3], $0x80, v3, vm0, $0xb8;
	[tilespmem:$0x1B800] =	vst v63  }
0x24d: {  	v3 =	vld [tilespmem:s17+$0xFFFFFFF0];
	_ =	sdelay $0x4  }
0x24e: {  	v62 =	vshll.u32 v3, $0x1  }
0x24f: {  	v3 =	vand.u32 $0x7, v3;
	v4 =	vand.u32 $0xFFFFFFF0, v62  }
0x250: {  	v3 =	vor.u32 v3, v4  }
0x251: {  	v4 =	vperm.xlane v3, v0;
	_ =	sdelay $0x1  }
0x252: {  	v3 =	vperm.xlane v3, v2;
	v4 =	vadd.s32 v1, v4;
	_ =	sdelay $0x1  }
0x253: {  	v3 =	vadd.s32 v1, v3;
	_ =	sdelay $0x2  }
0x254: {  	[tilespmem:s30], [sflag:$0x5] =	stream.indirect_vreg.gather [hbm4b:s2+s3], $0x80, v4, vm0, $0xb8;
	[tilespmem:$0x1B800] =	vst v63  }
0x255: {  	_ = 	snop  }
0x256: {  	[tilespmem:s31], [sflag:$0x5] =	stream.indirect_vreg.gather [hbm4b:s2+s3], $0x80, v3, vm0, $0xb8;
	[tilespmem:$0x1B800] =	vst v63  }
0x257: {  	v3 =	vld [tilespmem:s17+$0x0];
	_ =	sdelay $0x4  }
0x258: {  	v63 =	vshll.u32 v3, $0x1  }
0x259: {  	v3 =	vand.u32 $0x7, v3;
	v4 =	vand.u32 $0xFFFFFFF0, v63  }
0x25a: {  	v3 =	vor.u32 v3, v4  }
0x25b: {  	v4 =	vperm.xlane v3, v0;
	_ =	sdelay $0x1  }
0x25c: {  	v3 =	vperm.xlane v3, v2;
	v4 =	vadd.s32 v1, v4;
	_ =	sdelay $0x1  }
0x25d: {  	v3 =	vadd.s32 v1, v3  }
.Ltmp3:
0x25e: {  	_ = 	snop;
	(pc) =	sbr.rel .LBB2_2-.Ltmp3, $4  }
0x25f: {  	_ = 	snop  }
0x260: {  	[tilespmem:s1], [sflag:$0x5] =	stream.indirect_vreg.gather [hbm4b:s2+s3], $0x80, v4, vm0, $0xb8;
	[tilespmem:$0x1B800] =	vst v63  }
0x261: {  	s19 =	sadd.s32 $0x3200, s19;
	s17 =	sadd.s32 $0x280, s17  }
0x262: {  	[tilespmem:s0], [sflag:$0x5] =	stream.indirect_vreg.gather [hbm4b:s2+s3], $0x80, v3, vm0, $0xb8;
	[tilespmem:$0x1B800] =	vst v63  }
.LBB2_5:
0x263: {  	_ =	sfence.sel $0x180000  }
0x264: {  	[bflag:$0x0] =	sbarrier.arrive $0xFFFF  }
0x265: {  	_ =	strace $0x90000047  }
0x266: {  	s0 =	stileid.u32;
	[bflag:$0x2] =	sbarrier.arrive $0xFFFF  }
0x267: {  	p0 =	sne.s32 s0, $0x0;
	s0 =	rddreg [dreg:$0x3]  }
0x268: {  	s0 =	sadd.s32 @!p0 $0x100000, s0  }
0x269: {  	[sflag:s0] =	ssyncadd.tile.s32 @!p0 $0x1;
	_ =	shalt  }
.Lfunc_end2:
_tile_overlayer_lowered:
.L_overlay_start_2:
0x26a: {  	(tag) =	ssettag $0x2  }
0x26b: {  	s0 =	rddreg [dreg:$0x0];
	s2 =	stileid.u32  }
0x26c: {  	s1 =	rddreg [dreg:$0x1];
	p0 =	sne.s32 s2, $0x0  }
0x26d: {  	s3 =	rddreg [dreg:$0x2];
	[bflag:$0x3] =	sbarrier.arrive $0xFFFF;
	s2 =	simm.s32 @!p0 $0x1C0B  }
0x26e: {  	[timem:s3], [sflag:s2] =	dma.local @!p0 [hbm:s0], s1  }
0x26f: {  	s0 =	simm.s32 @!p0 $0xB  }
0x270: {  	_ =	swait.ge @!p0 [sflag:s0], s1  }
0x271: {  	s1 =	ssub.s32 @!p0 $0x0, s1;
	[sflag:s0] =	ssyncset.done @!p0 $0x0  }
0x272: {  	[sflag:s0] =	ssyncadd.s32 @!p0 s1  }
0x273: {  	[bflag:$0x3] =	sbarrier.arrive $0xFFFF  }
0x274: {  	_ =	shalt  }

</sc_bundles>
